<compile_context>
chip_gen: v7x
topology: tpu7x:2x2x1
jax: 0.10.2.dev20260603
libtpu: 0.0.44.dev20260713+nightly
codegen_flags: <defaults>
</compile_context>

<pallas_src>
import functools

import jax
import jax.numpy as jnp
from jax import lax
from jax.experimental import pallas as pl
from jax.experimental.pallas import tpu as pltpu
from jax.experimental.pallas import tpu_sc as plsc

NC = 2
NS = 16
NW = NC * NS
LANES = 16
CH = 128
GC = 8


def _sc_mesh():
    return plsc.VectorSubcoreMesh(
        core_axis_name="c", subcore_axis_name="s",
        num_cores=NC, num_subcores=NS)



def _deg_kernel(n_pad, cpw, w=128):
    slc = n_pad // NS

    def body(dst3, ones_hbm, zdeg_hbm, degp, idxv, onesv, degsh):
        c = lax.axis_index("c")
        s = lax.axis_index("s")
        wid = s * NC + c
        pltpu.sync_copy(zdeg_hbm, degsh.at[pl.ds(s * slc, slc)])
        pltpu.sync_copy(ones_hbm, onesv)
        pltpu.sync_copy(dst3.at[wid], idxv)
        plsc.subcore_barrier()

        def chunk(j, carry):
            pltpu.sync_copy(onesv, degsh.at[idxv.at[j]], add=True)
            return carry

        lax.fori_loop(0, cpw, chunk, 0)
        plsc.subcore_barrier()
        pltpu.sync_copy(degsh.at[pl.ds(s * slc, slc)],
                        degp.at[c, pl.ds(s * slc, slc)])

    return pl.kernel(
        body,
        out_type=jax.ShapeDtypeStruct((NC, n_pad, w), jnp.float32),
        mesh=_sc_mesh(),
        scratch_types=[
            pltpu.VMEM((cpw, CH), jnp.int32),
            pltpu.VMEM((CH, w), jnp.float32),
            pltpu.VMEM_SHARED((n_pad, w), jnp.float32),
        ],
    )


def _agg_kernel(n_pad, cpw, d):
    assert cpw % GC == 0 and GC % 2 == 0
    ngrp = cpw // GC
    slc = n_pad // NS

    def body(src3, dst3, g_hbm, zagg_hbm, aggp, srcv, dstv,
             rows0, rows1, aggsh, sem0, sem1):
        c = lax.axis_index("c")
        s = lax.axis_index("s")
        wid = s * NC + c
        pltpu.sync_copy(zagg_hbm, aggsh.at[pl.ds(s * slc, slc)])
        pltpu.sync_copy(src3.at[wid], srcv)
        pltpu.sync_copy(dst3.at[wid, pl.ds(0, GC)], dstv)
        plsc.subcore_barrier()

        pltpu.async_copy(g_hbm.at[srcv.at[0]], rows0, sem0)
        pltpu.async_copy(g_hbm.at[srcv.at[1]], rows1, sem1)

        def group(grp, carry):
            def pair(t, _):
                j0 = grp * GC + 2 * t
                n0 = jnp.minimum(j0 + 2, cpw - 1)
                n1 = jnp.minimum(j0 + 3, cpw - 1)
                pltpu.make_async_copy(g_hbm.at[pl.ds(0, CH)], rows0,
                                      sem0).wait()
                pltpu.sync_copy(rows0, aggsh.at[dstv.at[2 * t]], add=True)
                pltpu.async_copy(g_hbm.at[srcv.at[n0]], rows0, sem0)
                pltpu.make_async_copy(g_hbm.at[pl.ds(0, CH)], rows1,
                                      sem1).wait()
                pltpu.sync_copy(rows1, aggsh.at[dstv.at[2 * t + 1]],
                                add=True)
                pltpu.async_copy(g_hbm.at[srcv.at[n1]], rows1, sem1)
                return _

            lax.fori_loop(0, GC // 2, pair, 0)
            nxt = jnp.minimum(grp + 1, ngrp - 1)
            pltpu.sync_copy(dst3.at[wid, pl.ds(nxt * GC, GC)], dstv)
            return carry

        lax.fori_loop(0, ngrp, group, 0)
        pltpu.make_async_copy(g_hbm.at[pl.ds(0, CH)], rows0, sem0).wait()
        pltpu.make_async_copy(g_hbm.at[pl.ds(0, CH)], rows1, sem1).wait()
        plsc.subcore_barrier()
        pltpu.sync_copy(aggsh.at[pl.ds(s * slc, slc)],
                        aggp.at[c, pl.ds(s * slc, slc)])

    return pl.kernel(
        body,
        out_type=jax.ShapeDtypeStruct((NC, n_pad, d), jnp.float32),
        mesh=_sc_mesh(),
        scratch_types=[
            pltpu.VMEM((cpw, CH), jnp.int32),
            pltpu.VMEM((GC, CH), jnp.int32),
            pltpu.VMEM((CH, d), jnp.float32),
            pltpu.VMEM((CH, d), jnp.float32),
            pltpu.VMEM_SHARED((n_pad, d), jnp.float32),
            pltpu.SemaphoreType.DMA,
            pltpu.SemaphoreType.DMA,
        ],
    )



def _dis(degp_blk):
    deg = degp_blk[0, :, 0:1] + degp_blk[1, :, 0:1]
    return jnp.where(deg > 0, lax.rsqrt(deg), 0.0)


def _mm_scale_body(degp_ref, x_ref, w_ref, g_ref):
    dis = _dis(degp_ref[...])
    h = jnp.dot(x_ref[...], w_ref[...], preferred_element_type=jnp.float32)
    g_ref[...] = dis * h


def _layer2_body(degp_ref, aggp_ref, b_ref, w_ref, g2_ref):
    dis = _dis(degp_ref[...])
    h1 = jnp.maximum(dis * (aggp_ref[0] + aggp_ref[1]) + b_ref[...], 0.0)
    g2_ref[...] = dis * jnp.dot(h1, w_ref[...],
                                preferred_element_type=jnp.float32)


def _final_body(inv_n, degp_ref, aggp_ref, b_ref, out_ref):
    i = pl.program_id(0)
    dis = _dis(degp_ref[...])
    h2 = jnp.maximum(dis * (aggp_ref[0] + aggp_ref[1]) + b_ref[...], 0.0)
    part = jnp.sum(h2, axis=0, keepdims=True) * inv_n

    @pl.when(i == 0)
    def _():
        out_ref[...] = part

    @pl.when(i > 0)
    def _():
        out_ref[...] += part


def _row_block(n, cap):
    best = 8
    for r in range(8, cap + 1, 8):
        if n % r == 0:
            best = r
    return best


def kernel(x, edge_index, W1, b1, W2, b2):
    n, d = x.shape
    e = edge_index.shape[1]
    n_pad = ((n + 1 + 511) // 512) * 512
    e_sl = e + n
    cpw = -(-(-(-e_sl // (NW * CH))) // GC) * GC
    e_pad = NW * cpw * CH

    loop = jnp.arange(n, dtype=jnp.int32)
    pad = n + jnp.arange(e_pad - e_sl, dtype=jnp.int32) % (n_pad - n)
    src3 = jnp.concatenate([edge_index[0], loop, pad]).reshape(NW, cpw, CH)
    dst3 = jnp.concatenate([edge_index[1], loop, pad]).reshape(NW, cpw, CH)
    x_pad = jnp.zeros((n_pad, d), jnp.float32).at[:n].set(x)
    ones_arr = jnp.ones((CH, d), jnp.float32)
    slc = n_pad // NS
    z_deg = jnp.zeros((slc, d), jnp.float32)
    z_agg = jnp.zeros((slc, d), jnp.float32)

    degp = _deg_kernel(n_pad, cpw, d)(dst3, ones_arr, z_deg)

    r2 = 512
    grid2 = n_pad // r2
    degp_spec = pl.BlockSpec((NC, r2, d), lambda i: (0, i, 0))
    aggp_spec = pl.BlockSpec((NC, r2, d), lambda i: (0, i, 0))
    w_spec = pl.BlockSpec((d, d), lambda i: (0, 0))
    b_spec = pl.BlockSpec((1, d), lambda i: (0, 0))
    row_spec = pl.BlockSpec((r2, d), lambda i: (i, 0))

    g1 = pl.pallas_call(
        _mm_scale_body,
        grid=(grid2,),
        in_specs=[degp_spec, row_spec, w_spec],
        out_specs=row_spec,
        out_shape=jax.ShapeDtypeStruct((n_pad, d), jnp.float32),
    )(degp, x_pad, W1)

    agg_fn = _agg_kernel(n_pad, cpw, d)
    aggp1 = agg_fn(src3, dst3, g1, z_agg)

    g2 = pl.pallas_call(
        _layer2_body,
        grid=(grid2,),
        in_specs=[degp_spec, aggp_spec, b_spec, w_spec],
        out_specs=row_spec,
        out_shape=jax.ShapeDtypeStruct((n_pad, d), jnp.float32),
    )(degp, aggp1, b1.reshape(1, d), W2)

    aggp2 = agg_fn(src3, dst3, g2, z_agg)

    r5 = _row_block(n, 2048)
    grid5 = n // r5
    out = pl.pallas_call(
        functools.partial(_final_body, 1.0 / n),
        grid=(grid5,),
        in_specs=[
            pl.BlockSpec((NC, r5, d), lambda i: (0, i, 0)),
            pl.BlockSpec((NC, r5, d), lambda i: (0, i, 0)),
            b_spec,
        ],
        out_specs=pl.BlockSpec((1, d), lambda i: (0, 0)),
        out_shape=jax.ShapeDtypeStruct((1, d), jnp.float32),
    )(degp, aggp2, b2.reshape(1, d))

    return out.reshape(d)

# --- scband reference (transcript-rebuilt; emitter-appended) ---
"""Pipeline reference for scband-token-gnn-2800318677072 (READ-ONLY COPY).

The authoritative reference and input builder live on the scoring server;
editing this copy changes nothing except your own understanding.
"""

import jax, jax.numpy as jnp
import numpy as np

N_NODES = 10000
N_EDGES = 320000
EMBED_DIM = 128


def gcn_conv(x, edge_index, W, b, num_nodes):
    # PyG GCNConv semantics: add self-loops, symmetric normalization,
    # linear transform, scatter-add aggregation at dst, then bias.
    src = edge_index[0]
    dst = edge_index[1]
    loop = jnp.arange(num_nodes, dtype=src.dtype)
    src = jnp.concatenate([src, loop])
    dst = jnp.concatenate([dst, loop])
    deg = jnp.zeros((num_nodes,), dtype=x.dtype).at[dst].add(1.0)
    deg_inv_sqrt = jnp.where(deg > 0, 1.0 / jnp.sqrt(deg), 0.0)
    norm = deg_inv_sqrt[src] * deg_inv_sqrt[dst]
    h = x @ W
    msg = h[src] * norm[:, None]
    out = jnp.zeros_like(h).at[dst].add(msg)
    return out + b


def setup_inputs(seed: int = 0) -> dict:
    key = jax.random.key(seed)
    k1, k2, k3, k4, k5, k6 = jax.random.split(key, 6)
    x = jax.random.normal(k1, (N_NODES, EMBED_DIM), dtype=jnp.float32)
    edge_index = jax.random.randint(k2, (2, N_EDGES), 0, N_NODES, dtype=jnp.int32)
    scale = 1.0 / np.sqrt(EMBED_DIM)
    W1 = jax.random.normal(k3, (EMBED_DIM, EMBED_DIM), dtype=jnp.float32) * scale
    b1 = jnp.zeros((EMBED_DIM,), dtype=jnp.float32)
    W2 = jax.random.normal(k4, (EMBED_DIM, EMBED_DIM), dtype=jnp.float32) * scale
    b2 = jnp.zeros((EMBED_DIM,), dtype=jnp.float32)
    return {"x": x, "edge_index": edge_index, "W1": W1, "b1": b1, "W2": W2, "b2": b2}


def reference(x, edge_index, W1, b1, W2, b2):
    num_nodes = x.shape[0]
    h = gcn_conv(x, edge_index, W1, b1, num_nodes)
    h = jax.nn.relu(h)
    h = gcn_conv(h, edge_index, W2, b2, num_nodes)
    h = jax.nn.relu(h)
    # AdaptiveAvgPool1d(1) on x.t() then squeeze -> mean over nodes per feature
    out = jnp.mean(h, axis=0)
    return out

if __name__ == "__main__":
    import jax
    _d = setup_inputs()
    print(jax.jit(kernel)(*tuple(_d.values())))

</pallas_src>

<mosaic_0001>
#map = affine_map<(d0, d1) -> (0, 0, 0)>
#map1 = affine_map<(d0, d1) -> (0, 0)>
module attributes {stable_mosaic.version = 14 : i64} {
  func.func @body(%arg0: i32, %arg1: i32, %arg2: memref<32x88x128xi32, #tpu.memory_space<hbm>>, %arg3: memref<32x88x128xi32, #tpu.memory_space<hbm>>, %arg4: memref<10240x128xf32, #tpu.memory_space<hbm>>, %arg5: memref<640x128xf32, #tpu.memory_space<hbm>>, %arg6: memref<2x10240x128xf32, #tpu.memory_space<hbm>>, %arg7: memref<88x128xi32, #tpu.memory_space<vmem>>, %arg8: memref<8x128xi32, #tpu.memory_space<vmem>>, %arg9: memref<128x128xf32, #tpu.memory_space<vmem>>, %arg10: memref<128x128xf32, #tpu.memory_space<vmem>>, %arg11: memref<10240x128xf32, #tpu.memory_space<vmem_shared>>, %arg12: memref<!tpu.dma_semaphore, #tpu.memory_space<semaphore_mem>>, %arg13: memref<!tpu.dma_semaphore, #tpu.memory_space<semaphore_mem>>) attributes {dimension_semantics = [#tpu.dimension_semantics<core_parallel>, #tpu.dimension_semantics<subcore_parallel>], iteration_bounds = array<i64: 2, 16>, scalar_prefetch = 0 : i64, scratch_operands = 7 : i64, tpu.core_type = #tpu.core_type<sc_vector_subcore>, window_params = [{transform_indices = #map}, {transform_indices = #map}, {transform_indices = #map1}, {transform_indices = #map1}, {transform_indices = #map}]} {
    %mul3A = arith.constant 2 : i32
    %mul3A_0 = arith.muli %arg1, %mul3A : i32
    %add3A = arith.addi %mul3A_0, %arg0 : i32
    %mul3A_1 = arith.constant 640 : i32
    %mul3A_2 = arith.muli %arg1, %mul3A_1 : i32
    "tpu.region"() ({
      %run_scoped3A = tpu.sem_alloc : memref<!tpu.dma_semaphore, #tpu.memory_space<semaphore_mem>>
      %dma_start3A_37 = arith.constant 0 : i32
      %dma_start3A_38 = tpu.memref_slice %arg11[%mul3A_2, %dma_start3A_37] : memref<10240x128xf32, #tpu.memory_space<vmem_shared>> -> memref<640x128xf32, #tpu.memory_space<vmem_shared>>
      tpu.enqueue_dma source(%arg5 : memref<640x128xf32, #tpu.memory_space<hbm>>) target(%dma_start3A_38 : memref<640x128xf32, #tpu.memory_space<vmem_shared>>) target_semaphore(%run_scoped3A : memref<!tpu.dma_semaphore, #tpu.memory_space<semaphore_mem>>)
      %dma_wait3A_39 = arith.constant 0 : i32
      %dma_wait3A_40 = tpu.memref_slice %arg11[%mul3A_2, %dma_wait3A_39] : memref<10240x128xf32, #tpu.memory_space<vmem_shared>> -> memref<640x128xf32, #tpu.memory_space<vmem_shared>>
      tpu.wait_dma2 semaphore(%run_scoped3A : memref<!tpu.dma_semaphore, #tpu.memory_space<semaphore_mem>>) src(%arg5 : memref<640x128xf32, #tpu.memory_space<hbm>>) dst(%dma_wait3A_40 : memref<640x128xf32, #tpu.memory_space<vmem_shared>>)
      tpu.yield
    }) : () -> ()
    "tpu.region"() ({
      %run_scoped3A = tpu.sem_alloc : memref<!tpu.dma_semaphore, #tpu.memory_space<semaphore_mem>>
      %dma_start3A_37 = arith.constant 0 : i32
      %dma_start3A_38 = arith.constant 0 : i32
      %dma_start3A_39 = tpu.memref_slice %arg2[%add3A, %dma_start3A_37, %dma_start3A_38] : memref<32x88x128xi32, #tpu.memory_space<hbm>> -> memref<1x88x128xi32, #tpu.memory_space<hbm>>
      %dma_start3A_40 = tpu.memref_squeeze %dma_start3A_39 : memref<1x88x128xi32, #tpu.memory_space<hbm>> -> memref<88x128xi32, #tpu.memory_space<hbm>>
      %dma_start3A_41 = arith.constant 0 : i32
      %dma_start3A_42 = arith.constant 0 : i32
      %dma_start3A_43 = tpu.memref_slice %arg2[%add3A, %dma_start3A_41, %dma_start3A_42] : memref<32x88x128xi32, #tpu.memory_space<hbm>> -> memref<1x88x128xi32, #tpu.memory_space<hbm>>
      %dma_start3A_44 = tpu.memref_squeeze %dma_start3A_43 : memref<1x88x128xi32, #tpu.memory_space<hbm>> -> memref<88x128xi32, #tpu.memory_space<hbm>>
      tpu.enqueue_dma source(%dma_start3A_44 : memref<88x128xi32, #tpu.memory_space<hbm>>) target(%arg7 : memref<88x128xi32, #tpu.memory_space<vmem>>) target_semaphore(%run_scoped3A : memref<!tpu.dma_semaphore, #tpu.memory_space<semaphore_mem>>)
      %dma_wait3A_45 = arith.constant 0 : i32
      %dma_wait3A_46 = arith.constant 0 : i32
      %dma_wait3A_47 = tpu.memref_slice %arg2[%add3A, %dma_wait3A_45, %dma_wait3A_46] : memref<32x88x128xi32, #tpu.memory_space<hbm>> -> memref<1x88x128xi32, #tpu.memory_space<hbm>>
      %dma_wait3A_48 = tpu.memref_squeeze %dma_wait3A_47 : memref<1x88x128xi32, #tpu.memory_space<hbm>> -> memref<88x128xi32, #tpu.memory_space<hbm>>
      %dma_wait3A_49 = arith.constant 0 : i32
      %dma_wait3A_50 = arith.constant 0 : i32
      %dma_wait3A_51 = tpu.memref_slice %arg2[%add3A, %dma_wait3A_49, %dma_wait3A_50] : memref<32x88x128xi32, #tpu.memory_space<hbm>> -> memref<1x88x128xi32, #tpu.memory_space<hbm>>
      %dma_wait3A_52 = tpu.memref_squeeze %dma_wait3A_51 : memref<1x88x128xi32, #tpu.memory_space<hbm>> -> memref<88x128xi32, #tpu.memory_space<hbm>>
      tpu.wait_dma2 semaphore(%run_scoped3A : memref<!tpu.dma_semaphore, #tpu.memory_space<semaphore_mem>>) src(%dma_wait3A_52 : memref<88x128xi32, #tpu.memory_space<hbm>>) dst(%arg7 : memref<88x128xi32, #tpu.memory_space<vmem>>)
      tpu.yield
    }) : () -> ()
    "tpu.region"() ({
      %run_scoped3A = tpu.sem_alloc : memref<!tpu.dma_semaphore, #tpu.memory_space<semaphore_mem>>
      %dma_start3A_37 = arith.constant 0 : i32
      %dma_start3A_38 = arith.constant 0 : i32
      %dma_start3A_39 = tpu.memref_slice %arg3[%add3A, %dma_start3A_37, %dma_start3A_38] : memref<32x88x128xi32, #tpu.memory_space<hbm>> -> memref<1x8x128xi32, #tpu.memory_space<hbm>>
      %dma_start3A_40 = tpu.memref_squeeze %dma_start3A_39 : memref<1x8x128xi32, #tpu.memory_space<hbm>> -> memref<8x128xi32, #tpu.memory_space<hbm>>
      %dma_start3A_41 = arith.constant 0 : i32
      %dma_start3A_42 = arith.constant 0 : i32
      %dma_start3A_43 = tpu.memref_slice %arg3[%add3A, %dma_start3A_41, %dma_start3A_42] : memref<32x88x128xi32, #tpu.memory_space<hbm>> -> memref<1x8x128xi32, #tpu.memory_space<hbm>>
      %dma_start3A_44 = tpu.memref_squeeze %dma_start3A_43 : memref<1x8x128xi32, #tpu.memory_space<hbm>> -> memref<8x128xi32, #tpu.memory_space<hbm>>
      tpu.enqueue_dma source(%dma_start3A_44 : memref<8x128xi32, #tpu.memory_space<hbm>>) target(%arg8 : memref<8x128xi32, #tpu.memory_space<vmem>>) target_semaphore(%run_scoped3A : memref<!tpu.dma_semaphore, #tpu.memory_space<semaphore_mem>>)
      %dma_wait3A_45 = arith.constant 0 : i32
      %dma_wait3A_46 = arith.constant 0 : i32
      %dma_wait3A_47 = tpu.memref_slice %arg3[%add3A, %dma_wait3A_45, %dma_wait3A_46] : memref<32x88x128xi32, #tpu.memory_space<hbm>> -> memref<1x8x128xi32, #tpu.memory_space<hbm>>
      %dma_wait3A_48 = tpu.memref_squeeze %dma_wait3A_47 : memref<1x8x128xi32, #tpu.memory_space<hbm>> -> memref<8x128xi32, #tpu.memory_space<hbm>>
      %dma_wait3A_49 = arith.constant 0 : i32
      %dma_wait3A_50 = arith.constant 0 : i32
      %dma_wait3A_51 = tpu.memref_slice %arg3[%add3A, %dma_wait3A_49, %dma_wait3A_50] : memref<32x88x128xi32, #tpu.memory_space<hbm>> -> memref<1x8x128xi32, #tpu.memory_space<hbm>>
      %dma_wait3A_52 = tpu.memref_squeeze %dma_wait3A_51 : memref<1x8x128xi32, #tpu.memory_space<hbm>> -> memref<8x128xi32, #tpu.memory_space<hbm>>
      tpu.wait_dma2 semaphore(%run_scoped3A : memref<!tpu.dma_semaphore, #tpu.memory_space<semaphore_mem>>) src(%dma_wait3A_52 : memref<8x128xi32, #tpu.memory_space<hbm>>) dst(%arg8 : memref<8x128xi32, #tpu.memory_space<vmem>>)
      tpu.yield
    }) : () -> ()
    %barrier3A = arith.constant 0 : index
    tpu.barrier barrier_id(%barrier3A)
    %dma_start3A = arith.constant 0 : i32
    %dma_start3A_3 = arith.constant 0 : i32
    %dma_start3A_4 = tpu.memref_slice %arg7[%dma_start3A, %dma_start3A_3] : memref<88x128xi32, #tpu.memory_space<vmem>> -> memref<1x128xi32, #tpu.memory_space<vmem>>
    %dma_start3A_5 = tpu.memref_squeeze %dma_start3A_4 : memref<1x128xi32, #tpu.memory_space<vmem>> -> memref<128xi32, #tpu.memory_space<vmem>>
    %dma_start3A_6 = arith.constant 0 : i32
    %dma_start3A_7 = arith.constant 0 : i32
    %dma_start3A_8 = tpu.memref_slice %arg4[%dma_start3A_6, %dma_start3A_7] : memref<10240x128xf32, #tpu.memory_space<hbm>> -> memref<10240x128xf32, #tpu.memory_space<hbm>>
    tpu.enqueue_indirect_dma source(%dma_start3A_8 : memref<10240x128xf32, #tpu.memory_space<hbm>>) target(%arg9 : memref<128x128xf32, #tpu.memory_space<vmem>>) offsets(%dma_start3A_5 : memref<128xi32, #tpu.memory_space<vmem>>) semaphore(%arg12 : memref<!tpu.dma_semaphore, #tpu.memory_space<semaphore_mem>>)
    %dma_start3A_9 = arith.constant 1 : i32
    %dma_start3A_10 = arith.constant 0 : i32
    %dma_start3A_11 = tpu.memref_slice %arg7[%dma_start3A_9, %dma_start3A_10] : memref<88x128xi32, #tpu.memory_space<vmem>> -> memref<1x128xi32, #tpu.memory_space<vmem>>
    %dma_start3A_12 = tpu.memref_squeeze %dma_start3A_11 : memref<1x128xi32, #tpu.memory_space<vmem>> -> memref<128xi32, #tpu.memory_space<vmem>>
    %dma_start3A_13 = arith.constant 0 : i32
    %dma_start3A_14 = arith.constant 0 : i32
    %dma_start3A_15 = tpu.memref_slice %arg4[%dma_start3A_13, %dma_start3A_14] : memref<10240x128xf32, #tpu.memory_space<hbm>> -> memref<10240x128xf32, #tpu.memory_space<hbm>>
    tpu.enqueue_indirect_dma source(%dma_start3A_15 : memref<10240x128xf32, #tpu.memory_space<hbm>>) target(%arg10 : memref<128x128xf32, #tpu.memory_space<vmem>>) offsets(%dma_start3A_12 : memref<128xi32, #tpu.memory_space<vmem>>) semaphore(%arg13 : memref<!tpu.dma_semaphore, #tpu.memory_space<semaphore_mem>>)
    %scan3A = arith.constant 0 : i32
    %scan3A_16 = arith.constant 0 : i32
    %scan3A_17 = arith.constant 11 : i32
    %scan3A_18 = arith.addi %scan3A_16, %scan3A_17 : i32
    %scan3A_19 = arith.constant 1 : i32
    scf.for %scan3A_37 = %scan3A_16 to %scan3A_18 step %scan3A_19  : i32 {
      %scan3A_38 = arith.constant 0 : i32
      %scan3A_39 = arith.constant 0 : i32
      %scan3A_40 = arith.constant 4 : i32
      %scan3A_41 = arith.addi %scan3A_39, %scan3A_40 : i32
      %scan3A_42 = arith.constant 1 : i32
      scf.for %scan3A_49 = %scan3A_39 to %scan3A_41 step %scan3A_42  : i32 {
        %mul3A_50 = arith.constant 8 : i32
        %mul3A_51 = arith.muli %scan3A_37, %mul3A_50 : i32
        %mul3A_52 = arith.constant 2 : i32
        %mul3A_53 = arith.muli %mul3A_52, %scan3A_49 : i32
        %add3A_54 = arith.addi %mul3A_51, %mul3A_53 : i32
        %add3A_55 = arith.constant 2 : i32
        %add3A_56 = arith.addi %add3A_54, %add3A_55 : i32
        %min3A_57 = arith.constant 87 : i32
        %min3A_58 = arith.minsi %add3A_56, %min3A_57 : i32
        %add3A_59 = arith.constant 3 : i32
        %add3A_60 = arith.addi %add3A_54, %add3A_59 : i32
        %min3A_61 = arith.constant 87 : i32
        %min3A_62 = arith.minsi %add3A_60, %min3A_61 : i32
        %dma_wait3A_63 = arith.constant 0 : i32
        %dma_wait3A_64 = arith.constant 0 : i32
        %dma_wait3A_65 = tpu.memref_slice %arg4[%dma_wait3A_63, %dma_wait3A_64] : memref<10240x128xf32, #tpu.memory_space<hbm>> -> memref<128x128xf32, #tpu.memory_space<hbm>>
        %dma_wait3A_66 = arith.constant 0 : i32
        %dma_wait3A_67 = arith.constant 0 : i32
        %dma_wait3A_68 = tpu.memref_slice %arg4[%dma_wait3A_66, %dma_wait3A_67] : memref<10240x128xf32, #tpu.memory_space<hbm>> -> memref<128x128xf32, #tpu.memory_space<hbm>>
        tpu.wait_dma2 semaphore(%arg12 : memref<!tpu.dma_semaphore, #tpu.memory_space<semaphore_mem>>) src(%dma_wait3A_68 : memref<128x128xf32, #tpu.memory_space<hbm>>) dst(%arg9 : memref<128x128xf32, #tpu.memory_space<vmem>>)
        %mul3A_69 = arith.constant 2 : i32
        %mul3A_70 = arith.muli %mul3A_69, %scan3A_49 : i32
        "tpu.region"() ({
          %run_scoped3A = tpu.sem_alloc : memref<!tpu.dma_semaphore, #tpu.memory_space<semaphore_mem>>
          %dma_start3A_93 = arith.constant 0 : i32
          %dma_start3A_94 = tpu.memref_slice %arg8[%mul3A_70, %dma_start3A_93] : memref<8x128xi32, #tpu.memory_space<vmem>> -> memref<1x128xi32, #tpu.memory_space<vmem>>
          %dma_start3A_95 = tpu.memref_squeeze %dma_start3A_94 : memref<1x128xi32, #tpu.memory_space<vmem>> -> memref<128xi32, #tpu.memory_space<vmem>>
          %dma_start3A_96 = arith.constant 0 : i32
          %dma_start3A_97 = arith.constant 0 : i32
          %dma_start3A_98 = tpu.memref_slice %arg11[%dma_start3A_96, %dma_start3A_97] : memref<10240x128xf32, #tpu.memory_space<vmem_shared>> -> memref<10240x128xf32, #tpu.memory_space<vmem_shared>>
          tpu.enqueue_indirect_dma source(%arg9 : memref<128x128xf32, #tpu.memory_space<vmem>>) target(%dma_start3A_98 : memref<10240x128xf32, #tpu.memory_space<vmem_shared>>) offsets(%dma_start3A_95 : memref<128xi32, #tpu.memory_space<vmem>>) semaphore(%run_scoped3A : memref<!tpu.dma_semaphore, #tpu.memory_space<semaphore_mem>>) {add = true}
          %dma_wait3A_99 = arith.constant 0 : i32
          %dma_wait3A_100 = tpu.memref_slice %arg8[%mul3A_70, %dma_wait3A_99] : memref<8x128xi32, #tpu.memory_space<vmem>> -> memref<1x128xi32, #tpu.memory_space<vmem>>
          %dma_wait3A_101 = tpu.memref_squeeze %dma_wait3A_100 : memref<1x128xi32, #tpu.memory_space<vmem>> -> memref<128xi32, #tpu.memory_space<vmem>>
          %dma_wait3A_102 = arith.constant 0 : i32
          %dma_wait3A_103 = arith.constant 0 : i32
          %dma_wait3A_104 = tpu.memref_slice %arg11[%dma_wait3A_102, %dma_wait3A_103] : memref<10240x128xf32, #tpu.memory_space<vmem_shared>> -> memref<10240x128xf32, #tpu.memory_space<vmem_shared>>
          tpu.wait_indirect_dma semaphore(%run_scoped3A : memref<!tpu.dma_semaphore, #tpu.memory_space<semaphore_mem>>) src(%arg9 : memref<128x128xf32, #tpu.memory_space<vmem>>) dst(%dma_wait3A_104 : memref<10240x128xf32, #tpu.memory_space<vmem_shared>>)
          tpu.yield
        }) : () -> ()
        %dma_start3A_71 = arith.constant 0 : i32
        %dma_start3A_72 = tpu.memref_slice %arg7[%min3A_58, %dma_start3A_71] : memref<88x128xi32, #tpu.memory_space<vmem>> -> memref<1x128xi32, #tpu.memory_space<vmem>>
        %dma_start3A_73 = tpu.memref_squeeze %dma_start3A_72 : memref<1x128xi32, #tpu.memory_space<vmem>> -> memref<128xi32, #tpu.memory_space<vmem>>
        %dma_start3A_74 = arith.constant 0 : i32
        %dma_start3A_75 = arith.constant 0 : i32
        %dma_start3A_76 = tpu.memref_slice %arg4[%dma_start3A_74, %dma_start3A_75] : memref<10240x128xf32, #tpu.memory_space<hbm>> -> memref<10240x128xf32, #tpu.memory_space<hbm>>
        tpu.enqueue_indirect_dma source(%dma_start3A_76 : memref<10240x128xf32, #tpu.memory_space<hbm>>) target(%arg9 : memref<128x128xf32, #tpu.memory_space<vmem>>) offsets(%dma_start3A_73 : memref<128xi32, #tpu.memory_space<vmem>>) semaphore(%arg12 : memref<!tpu.dma_semaphore, #tpu.memory_space<semaphore_mem>>)
        %dma_wait3A_77 = arith.constant 0 : i32
        %dma_wait3A_78 = arith.constant 0 : i32
        %dma_wait3A_79 = tpu.memref_slice %arg4[%dma_wait3A_77, %dma_wait3A_78] : memref<10240x128xf32, #tpu.memory_space<hbm>> -> memref<128x128xf32, #tpu.memory_space<hbm>>
        %dma_wait3A_80 = arith.constant 0 : i32
        %dma_wait3A_81 = arith.constant 0 : i32
        %dma_wait3A_82 = tpu.memref_slice %arg4[%dma_wait3A_80, %dma_wait3A_81] : memref<10240x128xf32, #tpu.memory_space<hbm>> -> memref<128x128xf32, #tpu.memory_space<hbm>>
        tpu.wait_dma2 semaphore(%arg13 : memref<!tpu.dma_semaphore, #tpu.memory_space<semaphore_mem>>) src(%dma_wait3A_82 : memref<128x128xf32, #tpu.memory_space<hbm>>) dst(%arg10 : memref<128x128xf32, #tpu.memory_space<vmem>>)
        %mul3A_83 = arith.constant 2 : i32
        %mul3A_84 = arith.muli %mul3A_83, %scan3A_49 : i32
        %add3A_85 = arith.constant 1 : i32
        %add3A_86 = arith.addi %mul3A_84, %add3A_85 : i32
        "tpu.region"() ({
          %run_scoped3A = tpu.sem_alloc : memref<!tpu.dma_semaphore, #tpu.memory_space<semaphore_mem>>
          %dma_start3A_93 = arith.constant 0 : i32
          %dma_start3A_94 = tpu.memref_slice %arg8[%add3A_86, %dma_start3A_93] : memref<8x128xi32, #tpu.memory_space<vmem>> -> memref<1x128xi32, #tpu.memory_space<vmem>>
          %dma_start3A_95 = tpu.memref_squeeze %dma_start3A_94 : memref<1x128xi32, #tpu.memory_space<vmem>> -> memref<128xi32, #tpu.memory_space<vmem>>
          %dma_start3A_96 = arith.constant 0 : i32
          %dma_start3A_97 = arith.constant 0 : i32
          %dma_start3A_98 = tpu.memref_slice %arg11[%dma_start3A_96, %dma_start3A_97] : memref<10240x128xf32, #tpu.memory_space<vmem_shared>> -> memref<10240x128xf32, #tpu.memory_space<vmem_shared>>
          tpu.enqueue_indirect_dma source(%arg10 : memref<128x128xf32, #tpu.memory_space<vmem>>) target(%dma_start3A_98 : memref<10240x128xf32, #tpu.memory_space<vmem_shared>>) offsets(%dma_start3A_95 : memref<128xi32, #tpu.memory_space<vmem>>) semaphore(%run_scoped3A : memref<!tpu.dma_semaphore, #tpu.memory_space<semaphore_mem>>) {add = true}
          %dma_wait3A_99 = arith.constant 0 : i32
          %dma_wait3A_100 = tpu.memref_slice %arg8[%add3A_86, %dma_wait3A_99] : memref<8x128xi32, #tpu.memory_space<vmem>> -> memref<1x128xi32, #tpu.memory_space<vmem>>
          %dma_wait3A_101 = tpu.memref_squeeze %dma_wait3A_100 : memref<1x128xi32, #tpu.memory_space<vmem>> -> memref<128xi32, #tpu.memory_space<vmem>>
          %dma_wait3A_102 = arith.constant 0 : i32
          %dma_wait3A_103 = arith.constant 0 : i32
          %dma_wait3A_104 = tpu.memref_slice %arg11[%dma_wait3A_102, %dma_wait3A_103] : memref<10240x128xf32, #tpu.memory_space<vmem_shared>> -> memref<10240x128xf32, #tpu.memory_space<vmem_shared>>
          tpu.wait_indirect_dma semaphore(%run_scoped3A : memref<!tpu.dma_semaphore, #tpu.memory_space<semaphore_mem>>) src(%arg10 : memref<128x128xf32, #tpu.memory_space<vmem>>) dst(%dma_wait3A_104 : memref<10240x128xf32, #tpu.memory_space<vmem_shared>>)
          tpu.yield
        }) : () -> ()
        %dma_start3A_87 = arith.constant 0 : i32
        %dma_start3A_88 = tpu.memref_slice %arg7[%min3A_62, %dma_start3A_87] : memref<88x128xi32, #tpu.memory_space<vmem>> -> memref<1x128xi32, #tpu.memory_space<vmem>>
        %dma_start3A_89 = tpu.memref_squeeze %dma_start3A_88 : memref<1x128xi32, #tpu.memory_space<vmem>> -> memref<128xi32, #tpu.memory_space<vmem>>
        %dma_start3A_90 = arith.constant 0 : i32
        %dma_start3A_91 = arith.constant 0 : i32
        %dma_start3A_92 = tpu.memref_slice %arg4[%dma_start3A_90, %dma_start3A_91] : memref<10240x128xf32, #tpu.memory_space<hbm>> -> memref<10240x128xf32, #tpu.memory_space<hbm>>
        tpu.enqueue_indirect_dma source(%dma_start3A_92 : memref<10240x128xf32, #tpu.memory_space<hbm>>) target(%arg10 : memref<128x128xf32, #tpu.memory_space<vmem>>) offsets(%dma_start3A_89 : memref<128xi32, #tpu.memory_space<vmem>>) semaphore(%arg13 : memref<!tpu.dma_semaphore, #tpu.memory_space<semaphore_mem>>)
      }
      %scan3A_43 = arith.constant 4 : i32
      %add3A_44 = arith.constant 1 : i32
      %add3A_45 = arith.addi %scan3A_37, %add3A_44 : i32
      %min3A = arith.constant 10 : i32
      %min3A_46 = arith.minsi %add3A_45, %min3A : i32
      %mul3A_47 = arith.constant 8 : i32
      %mul3A_48 = arith.muli %min3A_46, %mul3A_47 : i32
      "tpu.region"() ({
        %run_scoped3A = tpu.sem_alloc : memref<!tpu.dma_semaphore, #tpu.memory_space<semaphore_mem>>
        %dma_start3A_49 = arith.constant 0 : i32
        %dma_start3A_50 = tpu.memref_slice %arg3[%add3A, %mul3A_48, %dma_start3A_49] : memref<32x88x128xi32, #tpu.memory_space<hbm>> -> memref<1x8x128xi32, #tpu.memory_space<hbm>>
        %dma_start3A_51 = tpu.memref_squeeze %dma_start3A_50 : memref<1x8x128xi32, #tpu.memory_space<hbm>> -> memref<8x128xi32, #tpu.memory_space<hbm>>
        %dma_start3A_52 = arith.constant 0 : i32
        %dma_start3A_53 = tpu.memref_slice %arg3[%add3A, %mul3A_48, %dma_start3A_52] : memref<32x88x128xi32, #tpu.memory_space<hbm>> -> memref<1x8x128xi32, #tpu.memory_space<hbm>>
        %dma_start3A_54 = tpu.memref_squeeze %dma_start3A_53 : memref<1x8x128xi32, #tpu.memory_space<hbm>> -> memref<8x128xi32, #tpu.memory_space<hbm>>
        tpu.enqueue_dma source(%dma_start3A_54 : memref<8x128xi32, #tpu.memory_space<hbm>>) target(%arg8 : memref<8x128xi32, #tpu.memory_space<vmem>>) target_semaphore(%run_scoped3A : memref<!tpu.dma_semaphore, #tpu.memory_space<semaphore_mem>>)
        %dma_wait3A_55 = arith.constant 0 : i32
        %dma_wait3A_56 = tpu.memref_slice %arg3[%add3A, %mul3A_48, %dma_wait3A_55] : memref<32x88x128xi32, #tpu.memory_space<hbm>> -> memref<1x8x128xi32, #tpu.memory_space<hbm>>
        %dma_wait3A_57 = tpu.memref_squeeze %dma_wait3A_56 : memref<1x8x128xi32, #tpu.memory_space<hbm>> -> memref<8x128xi32, #tpu.memory_space<hbm>>
        %dma_wait3A_58 = arith.constant 0 : i32
        %dma_wait3A_59 = tpu.memref_slice %arg3[%add3A, %mul3A_48, %dma_wait3A_58] : memref<32x88x128xi32, #tpu.memory_space<hbm>> -> memref<1x8x128xi32, #tpu.memory_space<hbm>>
        %dma_wait3A_60 = tpu.memref_squeeze %dma_wait3A_59 : memref<1x8x128xi32, #tpu.memory_space<hbm>> -> memref<8x128xi32, #tpu.memory_space<hbm>>
        tpu.wait_dma2 semaphore(%run_scoped3A : memref<!tpu.dma_semaphore, #tpu.memory_space<semaphore_mem>>) src(%dma_wait3A_60 : memref<8x128xi32, #tpu.memory_space<hbm>>) dst(%arg8 : memref<8x128xi32, #tpu.memory_space<vmem>>)
        tpu.yield
      }) : () -> ()
    }
    %scan3A_20 = arith.constant 11 : i32
    %dma_wait3A = arith.constant 0 : i32
    %dma_wait3A_21 = arith.constant 0 : i32
    %dma_wait3A_22 = tpu.memref_slice %arg4[%dma_wait3A, %dma_wait3A_21] : memref<10240x128xf32, #tpu.memory_space<hbm>> -> memref<128x128xf32, #tpu.memory_space<hbm>>
    %dma_wait3A_23 = arith.constant 0 : i32
    %dma_wait3A_24 = arith.constant 0 : i32
    %dma_wait3A_25 = tpu.memref_slice %arg4[%dma_wait3A_23, %dma_wait3A_24] : memref<10240x128xf32, #tpu.memory_space<hbm>> -> memref<128x128xf32, #tpu.memory_space<hbm>>
    tpu.wait_dma2 semaphore(%arg12 : memref<!tpu.dma_semaphore, #tpu.memory_space<semaphore_mem>>) src(%dma_wait3A_25 : memref<128x128xf32, #tpu.memory_space<hbm>>) dst(%arg9 : memref<128x128xf32, #tpu.memory_space<vmem>>)
    %dma_wait3A_26 = arith.constant 0 : i32
    %dma_wait3A_27 = arith.constant 0 : i32
    %dma_wait3A_28 = tpu.memref_slice %arg4[%dma_wait3A_26, %dma_wait3A_27] : memref<10240x128xf32, #tpu.memory_space<hbm>> -> memref<128x128xf32, #tpu.memory_space<hbm>>
    %dma_wait3A_29 = arith.constant 0 : i32
    %dma_wait3A_30 = arith.constant 0 : i32
    %dma_wait3A_31 = tpu.memref_slice %arg4[%dma_wait3A_29, %dma_wait3A_30] : memref<10240x128xf32, #tpu.memory_space<hbm>> -> memref<128x128xf32, #tpu.memory_space<hbm>>
    tpu.wait_dma2 semaphore(%arg13 : memref<!tpu.dma_semaphore, #tpu.memory_space<semaphore_mem>>) src(%dma_wait3A_31 : memref<128x128xf32, #tpu.memory_space<hbm>>) dst(%arg10 : memref<128x128xf32, #tpu.memory_space<vmem>>)
    %barrier3A_32 = arith.constant 0 : index
    tpu.barrier barrier_id(%barrier3A_32)
    %mul3A_33 = arith.constant 640 : i32
    %mul3A_34 = arith.muli %arg1, %mul3A_33 : i32
    %mul3A_35 = arith.constant 640 : i32
    %mul3A_36 = arith.muli %arg1, %mul3A_35 : i32
    "tpu.region"() ({
      %run_scoped3A = tpu.sem_alloc : memref<!tpu.dma_semaphore, #tpu.memory_space<semaphore_mem>>
      %dma_start3A_37 = arith.constant 0 : i32
      %dma_start3A_38 = tpu.memref_slice %arg6[%arg0, %mul3A_36, %dma_start3A_37] : memref<2x10240x128xf32, #tpu.memory_space<hbm>> -> memref<1x640x128xf32, #tpu.memory_space<hbm>>
      %dma_start3A_39 = tpu.memref_squeeze %dma_start3A_38 : memref<1x640x128xf32, #tpu.memory_space<hbm>> -> memref<640x128xf32, #tpu.memory_space<hbm>>
      %dma_start3A_40 = arith.constant 0 : i32
      %dma_start3A_41 = tpu.memref_slice %arg11[%mul3A_34, %dma_start3A_40] : memref<10240x128xf32, #tpu.memory_space<vmem_shared>> -> memref<640x128xf32, #tpu.memory_space<vmem_shared>>
      tpu.enqueue_dma source(%dma_start3A_41 : memref<640x128xf32, #tpu.memory_space<vmem_shared>>) target(%dma_start3A_39 : memref<640x128xf32, #tpu.memory_space<hbm>>) target_semaphore(%run_scoped3A : memref<!tpu.dma_semaphore, #tpu.memory_space<semaphore_mem>>)
      %dma_wait3A_42 = arith.constant 0 : i32
      %dma_wait3A_43 = tpu.memref_slice %arg6[%arg0, %mul3A_36, %dma_wait3A_42] : memref<2x10240x128xf32, #tpu.memory_space<hbm>> -> memref<1x640x128xf32, #tpu.memory_space<hbm>>
      %dma_wait3A_44 = tpu.memref_squeeze %dma_wait3A_43 : memref<1x640x128xf32, #tpu.memory_space<hbm>> -> memref<640x128xf32, #tpu.memory_space<hbm>>
      %dma_wait3A_45 = arith.constant 0 : i32
      %dma_wait3A_46 = tpu.memref_slice %arg11[%mul3A_34, %dma_wait3A_45] : memref<10240x128xf32, #tpu.memory_space<vmem_shared>> -> memref<640x128xf32, #tpu.memory_space<vmem_shared>>
      tpu.wait_dma2 semaphore(%run_scoped3A : memref<!tpu.dma_semaphore, #tpu.memory_space<semaphore_mem>>) src(%dma_wait3A_46 : memref<640x128xf32, #tpu.memory_space<vmem_shared>>) dst(%dma_wait3A_44 : memref<640x128xf32, #tpu.memory_space<hbm>>)
      tpu.yield
    }) : () -> ()
    return
  }
}

#map = affine_map<(d0, d1) -> (0, 0, 0)>
#map1 = affine_map<(d0, d1) -> (0, 0)>
module attributes {stable_mosaic.version = 14 : i64} {
  func.func @body(%arg0: i32, %arg1: i32, %arg2: memref<32x88x128xi32, #tpu.memory_space<hbm>>, %arg3: memref<128x128xf32, #tpu.memory_space<hbm>>, %arg4: memref<640x128xf32, #tpu.memory_space<hbm>>, %arg5: memref<2x10240x128xf32, #tpu.memory_space<hbm>>, %arg6: memref<88x128xi32, #tpu.memory_space<vmem>>, %arg7: memref<128x128xf32, #tpu.memory_space<vmem>>, %arg8: memref<10240x128xf32, #tpu.memory_space<vmem_shared>>) attributes {dimension_semantics = [#tpu.dimension_semantics<core_parallel>, #tpu.dimension_semantics<subcore_parallel>], iteration_bounds = array<i64: 2, 16>, scalar_prefetch = 0 : i64, scratch_operands = 3 : i64, tpu.core_type = #tpu.core_type<sc_vector_subcore>, window_params = [{transform_indices = #map}, {transform_indices = #map1}, {transform_indices = #map1}, {transform_indices = #map}]} {
    %mul3A = arith.constant 2 : i32
    %mul3A_0 = arith.muli %arg1, %mul3A : i32
    %add3A = arith.addi %mul3A_0, %arg0 : i32
    %mul3A_1 = arith.constant 640 : i32
    %mul3A_2 = arith.muli %arg1, %mul3A_1 : i32
    "tpu.region"() ({
      %run_scoped3A = tpu.sem_alloc : memref<!tpu.dma_semaphore, #tpu.memory_space<semaphore_mem>>
      %dma_start3A = arith.constant 0 : i32
      %dma_start3A_13 = tpu.memref_slice %arg8[%mul3A_2, %dma_start3A] : memref<10240x128xf32, #tpu.memory_space<vmem_shared>> -> memref<640x128xf32, #tpu.memory_space<vmem_shared>>
      tpu.enqueue_dma source(%arg4 : memref<640x128xf32, #tpu.memory_space<hbm>>) target(%dma_start3A_13 : memref<640x128xf32, #tpu.memory_space<vmem_shared>>) target_semaphore(%run_scoped3A : memref<!tpu.dma_semaphore, #tpu.memory_space<semaphore_mem>>)
      %dma_wait3A = arith.constant 0 : i32
      %dma_wait3A_14 = tpu.memref_slice %arg8[%mul3A_2, %dma_wait3A] : memref<10240x128xf32, #tpu.memory_space<vmem_shared>> -> memref<640x128xf32, #tpu.memory_space<vmem_shared>>
      tpu.wait_dma2 semaphore(%run_scoped3A : memref<!tpu.dma_semaphore, #tpu.memory_space<semaphore_mem>>) src(%arg4 : memref<640x128xf32, #tpu.memory_space<hbm>>) dst(%dma_wait3A_14 : memref<640x128xf32, #tpu.memory_space<vmem_shared>>)
      tpu.yield
    }) : () -> ()
    "tpu.region"() ({
      %run_scoped3A = tpu.sem_alloc : memref<!tpu.dma_semaphore, #tpu.memory_space<semaphore_mem>>
      tpu.enqueue_dma source(%arg3 : memref<128x128xf32, #tpu.memory_space<hbm>>) target(%arg7 : memref<128x128xf32, #tpu.memory_space<vmem>>) target_semaphore(%run_scoped3A : memref<!tpu.dma_semaphore, #tpu.memory_space<semaphore_mem>>)
      tpu.wait_dma2 semaphore(%run_scoped3A : memref<!tpu.dma_semaphore, #tpu.memory_space<semaphore_mem>>) src(%arg3 : memref<128x128xf32, #tpu.memory_space<hbm>>) dst(%arg7 : memref<128x128xf32, #tpu.memory_space<vmem>>)
      tpu.yield
    }) : () -> ()
    "tpu.region"() ({
      %run_scoped3A = tpu.sem_alloc : memref<!tpu.dma_semaphore, #tpu.memory_space<semaphore_mem>>
      %dma_start3A = arith.constant 0 : i32
      %dma_start3A_13 = arith.constant 0 : i32
      %dma_start3A_14 = tpu.memref_slice %arg2[%add3A, %dma_start3A, %dma_start3A_13] : memref<32x88x128xi32, #tpu.memory_space<hbm>> -> memref<1x88x128xi32, #tpu.memory_space<hbm>>
      %dma_start3A_15 = tpu.memref_squeeze %dma_start3A_14 : memref<1x88x128xi32, #tpu.memory_space<hbm>> -> memref<88x128xi32, #tpu.memory_space<hbm>>
      %dma_start3A_16 = arith.constant 0 : i32
      %dma_start3A_17 = arith.constant 0 : i32
      %dma_start3A_18 = tpu.memref_slice %arg2[%add3A, %dma_start3A_16, %dma_start3A_17] : memref<32x88x128xi32, #tpu.memory_space<hbm>> -> memref<1x88x128xi32, #tpu.memory_space<hbm>>
      %dma_start3A_19 = tpu.memref_squeeze %dma_start3A_18 : memref<1x88x128xi32, #tpu.memory_space<hbm>> -> memref<88x128xi32, #tpu.memory_space<hbm>>
      tpu.enqueue_dma source(%dma_start3A_19 : memref<88x128xi32, #tpu.memory_space<hbm>>) target(%arg6 : memref<88x128xi32, #tpu.memory_space<vmem>>) target_semaphore(%run_scoped3A : memref<!tpu.dma_semaphore, #tpu.memory_space<semaphore_mem>>)
      %dma_wait3A = arith.constant 0 : i32
      %dma_wait3A_20 = arith.constant 0 : i32
      %dma_wait3A_21 = tpu.memref_slice %arg2[%add3A, %dma_wait3A, %dma_wait3A_20] : memref<32x88x128xi32, #tpu.memory_space<hbm>> -> memref<1x88x128xi32, #tpu.memory_space<hbm>>
      %dma_wait3A_22 = tpu.memref_squeeze %dma_wait3A_21 : memref<1x88x128xi32, #tpu.memory_space<hbm>> -> memref<88x128xi32, #tpu.memory_space<hbm>>
      %dma_wait3A_23 = arith.constant 0 : i32
      %dma_wait3A_24 = arith.constant 0 : i32
      %dma_wait3A_25 = tpu.memref_slice %arg2[%add3A, %dma_wait3A_23, %dma_wait3A_24] : memref<32x88x128xi32, #tpu.memory_space<hbm>> -> memref<1x88x128xi32, #tpu.memory_space<hbm>>
      %dma_wait3A_26 = tpu.memref_squeeze %dma_wait3A_25 : memref<1x88x128xi32, #tpu.memory_space<hbm>> -> memref<88x128xi32, #tpu.memory_space<hbm>>
      tpu.wait_dma2 semaphore(%run_scoped3A : memref<!tpu.dma_semaphore, #tpu.memory_space<semaphore_mem>>) src(%dma_wait3A_26 : memref<88x128xi32, #tpu.memory_space<hbm>>) dst(%arg6 : memref<88x128xi32, #tpu.memory_space<vmem>>)
      tpu.yield
    }) : () -> ()
    %barrier3A = arith.constant 0 : index
    tpu.barrier barrier_id(%barrier3A)
    %scan3A = arith.constant 0 : i32
    %scan3A_3 = arith.constant 0 : i32
    %scan3A_4 = arith.constant 88 : i32
    %scan3A_5 = arith.addi %scan3A_3, %scan3A_4 : i32
    %scan3A_6 = arith.constant 1 : i32
    scf.for %scan3A_13 = %scan3A_3 to %scan3A_5 step %scan3A_6  : i32 {
      "tpu.region"() ({
        %run_scoped3A = tpu.sem_alloc : memref<!tpu.dma_semaphore, #tpu.memory_space<semaphore_mem>>
        %dma_start3A = arith.constant 0 : i32
        %dma_start3A_14 = tpu.memref_slice %arg6[%scan3A_13, %dma_start3A] : memref<88x128xi32, #tpu.memory_space<vmem>> -> memref<1x128xi32, #tpu.memory_space<vmem>>
        %dma_start3A_15 = tpu.memref_squeeze %dma_start3A_14 : memref<1x128xi32, #tpu.memory_space<vmem>> -> memref<128xi32, #tpu.memory_space<vmem>>
        %dma_start3A_16 = arith.constant 0 : i32
        %dma_start3A_17 = arith.constant 0 : i32
        %dma_start3A_18 = tpu.memref_slice %arg8[%dma_start3A_16, %dma_start3A_17] : memref<10240x128xf32, #tpu.memory_space<vmem_shared>> -> memref<10240x128xf32, #tpu.memory_space<vmem_shared>>
        tpu.enqueue_indirect_dma source(%arg7 : memref<128x128xf32, #tpu.memory_space<vmem>>) target(%dma_start3A_18 : memref<10240x128xf32, #tpu.memory_space<vmem_shared>>) offsets(%dma_start3A_15 : memref<128xi32, #tpu.memory_space<vmem>>) semaphore(%run_scoped3A : memref<!tpu.dma_semaphore, #tpu.memory_space<semaphore_mem>>) {add = true}
        %dma_wait3A = arith.constant 0 : i32
        %dma_wait3A_19 = tpu.memref_slice %arg6[%scan3A_13, %dma_wait3A] : memref<88x128xi32, #tpu.memory_space<vmem>> -> memref<1x128xi32, #tpu.memory_space<vmem>>
        %dma_wait3A_20 = tpu.memref_squeeze %dma_wait3A_19 : memref<1x128xi32, #tpu.memory_space<vmem>> -> memref<128xi32, #tpu.memory_space<vmem>>
        %dma_wait3A_21 = arith.constant 0 : i32
        %dma_wait3A_22 = arith.constant 0 : i32
        %dma_wait3A_23 = tpu.memref_slice %arg8[%dma_wait3A_21, %dma_wait3A_22] : memref<10240x128xf32, #tpu.memory_space<vmem_shared>> -> memref<10240x128xf32, #tpu.memory_space<vmem_shared>>
        tpu.wait_indirect_dma semaphore(%run_scoped3A : memref<!tpu.dma_semaphore, #tpu.memory_space<semaphore_mem>>) src(%arg7 : memref<128x128xf32, #tpu.memory_space<vmem>>) dst(%dma_wait3A_23 : memref<10240x128xf32, #tpu.memory_space<vmem_shared>>)
        tpu.yield
      }) : () -> ()
    }
    %scan3A_7 = arith.constant 88 : i32
    %barrier3A_8 = arith.constant 0 : index
    tpu.barrier barrier_id(%barrier3A_8)
    %mul3A_9 = arith.constant 640 : i32
    %mul3A_10 = arith.muli %arg1, %mul3A_9 : i32
    %mul3A_11 = arith.constant 640 : i32
    %mul3A_12 = arith.muli %arg1, %mul3A_11 : i32
    "tpu.region"() ({
      %run_scoped3A = tpu.sem_alloc : memref<!tpu.dma_semaphore, #tpu.memory_space<semaphore_mem>>
      %dma_start3A = arith.constant 0 : i32
      %dma_start3A_13 = tpu.memref_slice %arg5[%arg0, %mul3A_12, %dma_start3A] : memref<2x10240x128xf32, #tpu.memory_space<hbm>> -> memref<1x640x128xf32, #tpu.memory_space<hbm>>
      %dma_start3A_14 = tpu.memref_squeeze %dma_start3A_13 : memref<1x640x128xf32, #tpu.memory_space<hbm>> -> memref<640x128xf32, #tpu.memory_space<hbm>>
      %dma_start3A_15 = arith.constant 0 : i32
      %dma_start3A_16 = tpu.memref_slice %arg8[%mul3A_10, %dma_start3A_15] : memref<10240x128xf32, #tpu.memory_space<vmem_shared>> -> memref<640x128xf32, #tpu.memory_space<vmem_shared>>
      tpu.enqueue_dma source(%dma_start3A_16 : memref<640x128xf32, #tpu.memory_space<vmem_shared>>) target(%dma_start3A_14 : memref<640x128xf32, #tpu.memory_space<hbm>>) target_semaphore(%run_scoped3A : memref<!tpu.dma_semaphore, #tpu.memory_space<semaphore_mem>>)
      %dma_wait3A = arith.constant 0 : i32
      %dma_wait3A_17 = tpu.memref_slice %arg5[%arg0, %mul3A_12, %dma_wait3A] : memref<2x10240x128xf32, #tpu.memory_space<hbm>> -> memref<1x640x128xf32, #tpu.memory_space<hbm>>
      %dma_wait3A_18 = tpu.memref_squeeze %dma_wait3A_17 : memref<1x640x128xf32, #tpu.memory_space<hbm>> -> memref<640x128xf32, #tpu.memory_space<hbm>>
      %dma_wait3A_19 = arith.constant 0 : i32
      %dma_wait3A_20 = tpu.memref_slice %arg8[%mul3A_10, %dma_wait3A_19] : memref<10240x128xf32, #tpu.memory_space<vmem_shared>> -> memref<640x128xf32, #tpu.memory_space<vmem_shared>>
      tpu.wait_dma2 semaphore(%run_scoped3A : memref<!tpu.dma_semaphore, #tpu.memory_space<semaphore_mem>>) src(%dma_wait3A_20 : memref<640x128xf32, #tpu.memory_space<vmem_shared>>) dst(%dma_wait3A_18 : memref<640x128xf32, #tpu.memory_space<hbm>>)
      tpu.yield
    }) : () -> ()
    return
  }
}

#map = affine_map<(d0, d1) -> (0, 0, 0)>
#map1 = affine_map<(d0, d1) -> (0, 0)>
module attributes {stable_mosaic.version = 14 : i64} {
  func.func @body(%arg0: i32, %arg1: i32, %arg2: memref<32x88x128xi32, #tpu.memory_space<hbm>>, %arg3: memref<32x88x128xi32, #tpu.memory_space<hbm>>, %arg4: memref<10240x128xf32, #tpu.memory_space<hbm>>, %arg5: memref<640x128xf32, #tpu.memory_space<hbm>>, %arg6: memref<2x10240x128xf32, #tpu.memory_space<hbm>>, %arg7: memref<88x128xi32, #tpu.memory_space<vmem>>, %arg8: memref<8x128xi32, #tpu.memory_space<vmem>>, %arg9: memref<128x128xf32, #tpu.memory_space<vmem>>, %arg10: memref<128x128xf32, #tpu.memory_space<vmem>>, %arg11: memref<10240x128xf32, #tpu.memory_space<vmem_shared>>, %arg12: memref<!tpu.dma_semaphore, #tpu.memory_space<semaphore_mem>>, %arg13: memref<!tpu.dma_semaphore, #tpu.memory_space<semaphore_mem>>) attributes {dimension_semantics = [#tpu.dimension_semantics<core_parallel>, #tpu.dimension_semantics<subcore_parallel>], iteration_bounds = array<i64: 2, 16>, scalar_prefetch = 0 : i64, scratch_operands = 7 : i64, tpu.core_type = #tpu.core_type<sc_vector_subcore>, window_params = [{transform_indices = #map}, {transform_indices = #map}, {transform_indices = #map1}, {transform_indices = #map1}, {transform_indices = #map}]} {
    %mul3A = arith.constant 2 : i32
    %mul3A_0 = arith.muli %arg1, %mul3A : i32
    %add3A = arith.addi %mul3A_0, %arg0 : i32
    %mul3A_1 = arith.constant 640 : i32
    %mul3A_2 = arith.muli %arg1, %mul3A_1 : i32
    "tpu.region"() ({
      %run_scoped3A = tpu.sem_alloc : memref<!tpu.dma_semaphore, #tpu.memory_space<semaphore_mem>>
      %dma_start3A_37 = arith.constant 0 : i32
      %dma_start3A_38 = tpu.memref_slice %arg11[%mul3A_2, %dma_start3A_37] : memref<10240x128xf32, #tpu.memory_space<vmem_shared>> -> memref<640x128xf32, #tpu.memory_space<vmem_shared>>
      tpu.enqueue_dma source(%arg5 : memref<640x128xf32, #tpu.memory_space<hbm>>) target(%dma_start3A_38 : memref<640x128xf32, #tpu.memory_space<vmem_shared>>) target_semaphore(%run_scoped3A : memref<!tpu.dma_semaphore, #tpu.memory_space<semaphore_mem>>)
      %dma_wait3A_39 = arith.constant 0 : i32
      %dma_wait3A_40 = tpu.memref_slice %arg11[%mul3A_2, %dma_wait3A_39] : memref<10240x128xf32, #tpu.memory_space<vmem_shared>> -> memref<640x128xf32, #tpu.memory_space<vmem_shared>>
      tpu.wait_dma2 semaphore(%run_scoped3A : memref<!tpu.dma_semaphore, #tpu.memory_space<semaphore_mem>>) src(%arg5 : memref<640x128xf32, #tpu.memory_space<hbm>>) dst(%dma_wait3A_40 : memref<640x128xf32, #tpu.memory_space<vmem_shared>>)
      tpu.yield
    }) : () -> ()
    "tpu.region"() ({
      %run_scoped3A = tpu.sem_alloc : memref<!tpu.dma_semaphore, #tpu.memory_space<semaphore_mem>>
      %dma_start3A_37 = arith.constant 0 : i32
      %dma_start3A_38 = arith.constant 0 : i32
      %dma_start3A_39 = tpu.memref_slice %arg2[%add3A, %dma_start3A_37, %dma_start3A_38] : memref<32x88x128xi32, #tpu.memory_space<hbm>> -> memref<1x88x128xi32, #tpu.memory_space<hbm>>
      %dma_start3A_40 = tpu.memref_squeeze %dma_start3A_39 : memref<1x88x128xi32, #tpu.memory_space<hbm>> -> memref<88x128xi32, #tpu.memory_space<hbm>>
      %dma_start3A_41 = arith.constant 0 : i32
      %dma_start3A_42 = arith.constant 0 : i32
      %dma_start3A_43 = tpu.memref_slice %arg2[%add3A, %dma_start3A_41, %dma_start3A_42] : memref<32x88x128xi32, #tpu.memory_space<hbm>> -> memref<1x88x128xi32, #tpu.memory_space<hbm>>
      %dma_start3A_44 = tpu.memref_squeeze %dma_start3A_43 : memref<1x88x128xi32, #tpu.memory_space<hbm>> -> memref<88x128xi32, #tpu.memory_space<hbm>>
      tpu.enqueue_dma source(%dma_start3A_44 : memref<88x128xi32, #tpu.memory_space<hbm>>) target(%arg7 : memref<88x128xi32, #tpu.memory_space<vmem>>) target_semaphore(%run_scoped3A : memref<!tpu.dma_semaphore, #tpu.memory_space<semaphore_mem>>)
      %dma_wait3A_45 = arith.constant 0 : i32
      %dma_wait3A_46 = arith.constant 0 : i32
      %dma_wait3A_47 = tpu.memref_slice %arg2[%add3A, %dma_wait3A_45, %dma_wait3A_46] : memref<32x88x128xi32, #tpu.memory_space<hbm>> -> memref<1x88x128xi32, #tpu.memory_space<hbm>>
      %dma_wait3A_48 = tpu.memref_squeeze %dma_wait3A_47 : memref<1x88x128xi32, #tpu.memory_space<hbm>> -> memref<88x128xi32, #tpu.memory_space<hbm>>
      %dma_wait3A_49 = arith.constant 0 : i32
      %dma_wait3A_50 = arith.constant 0 : i32
      %dma_wait3A_51 = tpu.memref_slice %arg2[%add3A, %dma_wait3A_49, %dma_wait3A_50] : memref<32x88x128xi32, #tpu.memory_space<hbm>> -> memref<1x88x128xi32, #tpu.memory_space<hbm>>
      %dma_wait3A_52 = tpu.memref_squeeze %dma_wait3A_51 : memref<1x88x128xi32, #tpu.memory_space<hbm>> -> memref<88x128xi32, #tpu.memory_space<hbm>>
      tpu.wait_dma2 semaphore(%run_scoped3A : memref<!tpu.dma_semaphore, #tpu.memory_space<semaphore_mem>>) src(%dma_wait3A_52 : memref<88x128xi32, #tpu.memory_space<hbm>>) dst(%arg7 : memref<88x128xi32, #tpu.memory_space<vmem>>)
      tpu.yield
    }) : () -> ()
    "tpu.region"() ({
      %run_scoped3A = tpu.sem_alloc : memref<!tpu.dma_semaphore, #tpu.memory_space<semaphore_mem>>
      %dma_start3A_37 = arith.constant 0 : i32
      %dma_start3A_38 = arith.constant 0 : i32
      %dma_start3A_39 = tpu.memref_slice %arg3[%add3A, %dma_start3A_37, %dma_start3A_38] : memref<32x88x128xi32, #tpu.memory_space<hbm>> -> memref<1x8x128xi32, #tpu.memory_space<hbm>>
      %dma_start3A_40 = tpu.memref_squeeze %dma_start3A_39 : memref<1x8x128xi32, #tpu.memory_space<hbm>> -> memref<8x128xi32, #tpu.memory_space<hbm>>
      %dma_start3A_41 = arith.constant 0 : i32
      %dma_start3A_42 = arith.constant 0 : i32
      %dma_start3A_43 = tpu.memref_slice %arg3[%add3A, %dma_start3A_41, %dma_start3A_42] : memref<32x88x128xi32, #tpu.memory_space<hbm>> -> memref<1x8x128xi32, #tpu.memory_space<hbm>>
      %dma_start3A_44 = tpu.memref_squeeze %dma_start3A_43 : memref<1x8x128xi32, #tpu.memory_space<hbm>> -> memref<8x128xi32, #tpu.memory_space<hbm>>
      tpu.enqueue_dma source(%dma_start3A_44 : memref<8x128xi32, #tpu.memory_space<hbm>>) target(%arg8 : memref<8x128xi32, #tpu.memory_space<vmem>>) target_semaphore(%run_scoped3A : memref<!tpu.dma_semaphore, #tpu.memory_space<semaphore_mem>>)
      %dma_wait3A_45 = arith.constant 0 : i32
      %dma_wait3A_46 = arith.constant 0 : i32
      %dma_wait3A_47 = tpu.memref_slice %arg3[%add3A, %dma_wait3A_45, %dma_wait3A_46] : memref<32x88x128xi32, #tpu.memory_space<hbm>> -> memref<1x8x128xi32, #tpu.memory_space<hbm>>
      %dma_wait3A_48 = tpu.memref_squeeze %dma_wait3A_47 : memref<1x8x128xi32, #tpu.memory_space<hbm>> -> memref<8x128xi32, #tpu.memory_space<hbm>>
      %dma_wait3A_49 = arith.constant 0 : i32
      %dma_wait3A_50 = arith.constant 0 : i32
      %dma_wait3A_51 = tpu.memref_slice %arg3[%add3A, %dma_wait3A_49, %dma_wait3A_50] : memref<32x88x128xi32, #tpu.memory_space<hbm>> -> memref<1x8x128xi32, #tpu.memory_space<hbm>>
      %dma_wait3A_52 = tpu.memref_squeeze %dma_wait3A_51 : memref<1x8x128xi32, #tpu.memory_space<hbm>> -> memref<8x128xi32, #tpu.memory_space<hbm>>
      tpu.wait_dma2 semaphore(%run_scoped3A : memref<!tpu.dma_semaphore, #tpu.memory_space<semaphore_mem>>) src(%dma_wait3A_52 : memref<8x128xi32, #tpu.memory_space<hbm>>) dst(%arg8 : memref<8x128xi32, #tpu.memory_space<vmem>>)
      tpu.yield
    }) : () -> ()
    %barrier3A = arith.constant 0 : index
    tpu.barrier barrier_id(%barrier3A)
    %dma_start3A = arith.constant 0 : i32
    %dma_start3A_3 = arith.constant 0 : i32
    %dma_start3A_4 = tpu.memref_slice %arg7[%dma_start3A, %dma_start3A_3] : memref<88x128xi32, #tpu.memory_space<vmem>> -> memref<1x128xi32, #tpu.memory_space<vmem>>
    %dma_start3A_5 = tpu.memref_squeeze %dma_start3A_4 : memref<1x128xi32, #tpu.memory_space<vmem>> -> memref<128xi32, #tpu.memory_space<vmem>>
    %dma_start3A_6 = arith.constant 0 : i32
    %dma_start3A_7 = arith.constant 0 : i32
    %dma_start3A_8 = tpu.memref_slice %arg4[%dma_start3A_6, %dma_start3A_7] : memref<10240x128xf32, #tpu.memory_space<hbm>> -> memref<10240x128xf32, #tpu.memory_space<hbm>>
    tpu.enqueue_indirect_dma source(%dma_start3A_8 : memref<10240x128xf32, #tpu.memory_space<hbm>>) target(%arg9 : memref<128x128xf32, #tpu.memory_space<vmem>>) offsets(%dma_start3A_5 : memref<128xi32, #tpu.memory_space<vmem>>) semaphore(%arg12 : memref<!tpu.dma_semaphore, #tpu.memory_space<semaphore_mem>>)
    %dma_start3A_9 = arith.constant 1 : i32
    %dma_start3A_10 = arith.constant 0 : i32
    %dma_start3A_11 = tpu.memref_slice %arg7[%dma_start3A_9, %dma_start3A_10] : memref<88x128xi32, #tpu.memory_space<vmem>> -> memref<1x128xi32, #tpu.memory_space<vmem>>
    %dma_start3A_12 = tpu.memref_squeeze %dma_start3A_11 : memref<1x128xi32, #tpu.memory_space<vmem>> -> memref<128xi32, #tpu.memory_space<vmem>>
    %dma_start3A_13 = arith.constant 0 : i32
    %dma_start3A_14 = arith.constant 0 : i32
    %dma_start3A_15 = tpu.memref_slice %arg4[%dma_start3A_13, %dma_start3A_14] : memref<10240x128xf32, #tpu.memory_space<hbm>> -> memref<10240x128xf32, #tpu.memory_space<hbm>>
    tpu.enqueue_indirect_dma source(%dma_start3A_15 : memref<10240x128xf32, #tpu.memory_space<hbm>>) target(%arg10 : memref<128x128xf32, #tpu.memory_space<vmem>>) offsets(%dma_start3A_12 : memref<128xi32, #tpu.memory_space<vmem>>) semaphore(%arg13 : memref<!tpu.dma_semaphore, #tpu.memory_space<semaphore_mem>>)
    %scan3A = arith.constant 0 : i32
    %scan3A_16 = arith.constant 0 : i32
    %scan3A_17 = arith.constant 11 : i32
    %scan3A_18 = arith.addi %scan3A_16, %scan3A_17 : i32
    %scan3A_19 = arith.constant 1 : i32
    scf.for %scan3A_37 = %scan3A_16 to %scan3A_18 step %scan3A_19  : i32 {
      %scan3A_38 = arith.constant 0 : i32
      %scan3A_39 = arith.constant 0 : i32
      %scan3A_40 = arith.constant 4 : i32
      %scan3A_41 = arith.addi %scan3A_39, %scan3A_40 : i32
      %scan3A_42 = arith.constant 1 : i32
      scf.for %scan3A_49 = %scan3A_39 to %scan3A_41 step %scan3A_42  : i32 {
        %mul3A_50 = arith.constant 8 : i32
        %mul3A_51 = arith.muli %scan3A_37, %mul3A_50 : i32
        %mul3A_52 = arith.constant 2 : i32
        %mul3A_53 = arith.muli %mul3A_52, %scan3A_49 : i32
        %add3A_54 = arith.addi %mul3A_51, %mul3A_53 : i32
        %add3A_55 = arith.constant 2 : i32
        %add3A_56 = arith.addi %add3A_54, %add3A_55 : i32
        %min3A_57 = arith.constant 87 : i32
        %min3A_58 = arith.minsi %add3A_56, %min3A_57 : i32
        %add3A_59 = arith.constant 3 : i32
        %add3A_60 = arith.addi %add3A_54, %add3A_59 : i32
        %min3A_61 = arith.constant 87 : i32
        %min3A_62 = arith.minsi %add3A_60, %min3A_61 : i32
        %dma_wait3A_63 = arith.constant 0 : i32
        %dma_wait3A_64 = arith.constant 0 : i32
        %dma_wait3A_65 = tpu.memref_slice %arg4[%dma_wait3A_63, %dma_wait3A_64] : memref<10240x128xf32, #tpu.memory_space<hbm>> -> memref<128x128xf32, #tpu.memory_space<hbm>>
        %dma_wait3A_66 = arith.constant 0 : i32
        %dma_wait3A_67 = arith.constant 0 : i32
        %dma_wait3A_68 = tpu.memref_slice %arg4[%dma_wait3A_66, %dma_wait3A_67] : memref<10240x128xf32, #tpu.memory_space<hbm>> -> memref<128x128xf32, #tpu.memory_space<hbm>>
        tpu.wait_dma2 semaphore(%arg12 : memref<!tpu.dma_semaphore, #tpu.memory_space<semaphore_mem>>) src(%dma_wait3A_68 : memref<128x128xf32, #tpu.memory_space<hbm>>) dst(%arg9 : memref<128x128xf32, #tpu.memory_space<vmem>>)
        %mul3A_69 = arith.constant 2 : i32
        %mul3A_70 = arith.muli %mul3A_69, %scan3A_49 : i32
        "tpu.region"() ({
          %run_scoped3A = tpu.sem_alloc : memref<!tpu.dma_semaphore, #tpu.memory_space<semaphore_mem>>
          %dma_start3A_93 = arith.constant 0 : i32
          %dma_start3A_94 = tpu.memref_slice %arg8[%mul3A_70, %dma_start3A_93] : memref<8x128xi32, #tpu.memory_space<vmem>> -> memref<1x128xi32, #tpu.memory_space<vmem>>
          %dma_start3A_95 = tpu.memref_squeeze %dma_start3A_94 : memref<1x128xi32, #tpu.memory_space<vmem>> -> memref<128xi32, #tpu.memory_space<vmem>>
          %dma_start3A_96 = arith.constant 0 : i32
          %dma_start3A_97 = arith.constant 0 : i32
          %dma_start3A_98 = tpu.memref_slice %arg11[%dma_start3A_96, %dma_start3A_97] : memref<10240x128xf32, #tpu.memory_space<vmem_shared>> -> memref<10240x128xf32, #tpu.memory_space<vmem_shared>>
          tpu.enqueue_indirect_dma source(%arg9 : memref<128x128xf32, #tpu.memory_space<vmem>>) target(%dma_start3A_98 : memref<10240x128xf32, #tpu.memory_space<vmem_shared>>) offsets(%dma_start3A_95 : memref<128xi32, #tpu.memory_space<vmem>>) semaphore(%run_scoped3A : memref<!tpu.dma_semaphore, #tpu.memory_space<semaphore_mem>>) {add = true}
          %dma_wait3A_99 = arith.constant 0 : i32
          %dma_wait3A_100 = tpu.memref_slice %arg8[%mul3A_70, %dma_wait3A_99] : memref<8x128xi32, #tpu.memory_space<vmem>> -> memref<1x128xi32, #tpu.memory_space<vmem>>
          %dma_wait3A_101 = tpu.memref_squeeze %dma_wait3A_100 : memref<1x128xi32, #tpu.memory_space<vmem>> -> memref<128xi32, #tpu.memory_space<vmem>>
          %dma_wait3A_102 = arith.constant 0 : i32
          %dma_wait3A_103 = arith.constant 0 : i32
          %dma_wait3A_104 = tpu.memref_slice %arg11[%dma_wait3A_102, %dma_wait3A_103] : memref<10240x128xf32, #tpu.memory_space<vmem_shared>> -> memref<10240x128xf32, #tpu.memory_space<vmem_shared>>
          tpu.wait_indirect_dma semaphore(%run_scoped3A : memref<!tpu.dma_semaphore, #tpu.memory_space<semaphore_mem>>) src(%arg9 : memref<128x128xf32, #tpu.memory_space<vmem>>) dst(%dma_wait3A_104 : memref<10240x128xf32, #tpu.memory_space<vmem_shared>>)
          tpu.yield
        }) : () -> ()
        %dma_start3A_71 = arith.constant 0 : i32
        %dma_start3A_72 = tpu.memref_slice %arg7[%min3A_58, %dma_start3A_71] : memref<88x128xi32, #tpu.memory_space<vmem>> -> memref<1x128xi32, #tpu.memory_space<vmem>>
        %dma_start3A_73 = tpu.memref_squeeze %dma_start3A_72 : memref<1x128xi32, #tpu.memory_space<vmem>> -> memref<128xi32, #tpu.memory_space<vmem>>
        %dma_start3A_74 = arith.constant 0 : i32
        %dma_start3A_75 = arith.constant 0 : i32
        %dma_start3A_76 = tpu.memref_slice %arg4[%dma_start3A_74, %dma_start3A_75] : memref<10240x128xf32, #tpu.memory_space<hbm>> -> memref<10240x128xf32, #tpu.memory_space<hbm>>
        tpu.enqueue_indirect_dma source(%dma_start3A_76 : memref<10240x128xf32, #tpu.memory_space<hbm>>) target(%arg9 : memref<128x128xf32, #tpu.memory_space<vmem>>) offsets(%dma_start3A_73 : memref<128xi32, #tpu.memory_space<vmem>>) semaphore(%arg12 : memref<!tpu.dma_semaphore, #tpu.memory_space<semaphore_mem>>)
        %dma_wait3A_77 = arith.constant 0 : i32
        %dma_wait3A_78 = arith.constant 0 : i32
        %dma_wait3A_79 = tpu.memref_slice %arg4[%dma_wait3A_77, %dma_wait3A_78] : memref<10240x128xf32, #tpu.memory_space<hbm>> -> memref<128x128xf32, #tpu.memory_space<hbm>>
        %dma_wait3A_80 = arith.constant 0 : i32
        %dma_wait3A_81 = arith.constant 0 : i32
        %dma_wait3A_82 = tpu.memref_slice %arg4[%dma_wait3A_80, %dma_wait3A_81] : memref<10240x128xf32, #tpu.memory_space<hbm>> -> memref<128x128xf32, #tpu.memory_space<hbm>>
        tpu.wait_dma2 semaphore(%arg13 : memref<!tpu.dma_semaphore, #tpu.memory_space<semaphore_mem>>) src(%dma_wait3A_82 : memref<128x128xf32, #tpu.memory_space<hbm>>) dst(%arg10 : memref<128x128xf32, #tpu.memory_space<vmem>>)
        %mul3A_83 = arith.constant 2 : i32
        %mul3A_84 = arith.muli %mul3A_83, %scan3A_49 : i32
        %add3A_85 = arith.constant 1 : i32
        %add3A_86 = arith.addi %mul3A_84, %add3A_85 : i32
        "tpu.region"() ({
          %run_scoped3A = tpu.sem_alloc : memref<!tpu.dma_semaphore, #tpu.memory_space<semaphore_mem>>
          %dma_start3A_93 = arith.constant 0 : i32
          %dma_start3A_94 = tpu.memref_slice %arg8[%add3A_86, %dma_start3A_93] : memref<8x128xi32, #tpu.memory_space<vmem>> -> memref<1x128xi32, #tpu.memory_space<vmem>>
          %dma_start3A_95 = tpu.memref_squeeze %dma_start3A_94 : memref<1x128xi32, #tpu.memory_space<vmem>> -> memref<128xi32, #tpu.memory_space<vmem>>
          %dma_start3A_96 = arith.constant 0 : i32
          %dma_start3A_97 = arith.constant 0 : i32
          %dma_start3A_98 = tpu.memref_slice %arg11[%dma_start3A_96, %dma_start3A_97] : memref<10240x128xf32, #tpu.memory_space<vmem_shared>> -> memref<10240x128xf32, #tpu.memory_space<vmem_shared>>
          tpu.enqueue_indirect_dma source(%arg10 : memref<128x128xf32, #tpu.memory_space<vmem>>) target(%dma_start3A_98 : memref<10240x128xf32, #tpu.memory_space<vmem_shared>>) offsets(%dma_start3A_95 : memref<128xi32, #tpu.memory_space<vmem>>) semaphore(%run_scoped3A : memref<!tpu.dma_semaphore, #tpu.memory_space<semaphore_mem>>) {add = true}
          %dma_wait3A_99 = arith.constant 0 : i32
          %dma_wait3A_100 = tpu.memref_slice %arg8[%add3A_86, %dma_wait3A_99] : memref<8x128xi32, #tpu.memory_space<vmem>> -> memref<1x128xi32, #tpu.memory_space<vmem>>
          %dma_wait3A_101 = tpu.memref_squeeze %dma_wait3A_100 : memref<1x128xi32, #tpu.memory_space<vmem>> -> memref<128xi32, #tpu.memory_space<vmem>>
          %dma_wait3A_102 = arith.constant 0 : i32
          %dma_wait3A_103 = arith.constant 0 : i32
          %dma_wait3A_104 = tpu.memref_slice %arg11[%dma_wait3A_102, %dma_wait3A_103] : memref<10240x128xf32, #tpu.memory_space<vmem_shared>> -> memref<10240x128xf32, #tpu.memory_space<vmem_shared>>
          tpu.wait_indirect_dma semaphore(%run_scoped3A : memref<!tpu.dma_semaphore, #tpu.memory_space<semaphore_mem>>) src(%arg10 : memref<128x128xf32, #tpu.memory_space<vmem>>) dst(%dma_wait3A_104 : memref<10240x128xf32, #tpu.memory_space<vmem_shared>>)
          tpu.yield
        }) : () -> ()
        %dma_start3A_87 = arith.constant 0 : i32
        %dma_start3A_88 = tpu.memref_slice %arg7[%min3A_62, %dma_start3A_87] : memref<88x128xi32, #tpu.memory_space<vmem>> -> memref<1x128xi32, #tpu.memory_space<vmem>>
        %dma_start3A_89 = tpu.memref_squeeze %dma_start3A_88 : memref<1x128xi32, #tpu.memory_space<vmem>> -> memref<128xi32, #tpu.memory_space<vmem>>
        %dma_start3A_90 = arith.constant 0 : i32
        %dma_start3A_91 = arith.constant 0 : i32
        %dma_start3A_92 = tpu.memref_slice %arg4[%dma_start3A_90, %dma_start3A_91] : memref<10240x128xf32, #tpu.memory_space<hbm>> -> memref<10240x128xf32, #tpu.memory_space<hbm>>
        tpu.enqueue_indirect_dma source(%dma_start3A_92 : memref<10240x128xf32, #tpu.memory_space<hbm>>) target(%arg10 : memref<128x128xf32, #tpu.memory_space<vmem>>) offsets(%dma_start3A_89 : memref<128xi32, #tpu.memory_space<vmem>>) semaphore(%arg13 : memref<!tpu.dma_semaphore, #tpu.memory_space<semaphore_mem>>)
      }
      %scan3A_43 = arith.constant 4 : i32
      %add3A_44 = arith.constant 1 : i32
      %add3A_45 = arith.addi %scan3A_37, %add3A_44 : i32
      %min3A = arith.constant 10 : i32
      %min3A_46 = arith.minsi %add3A_45, %min3A : i32
      %mul3A_47 = arith.constant 8 : i32
      %mul3A_48 = arith.muli %min3A_46, %mul3A_47 : i32
      "tpu.region"() ({
        %run_scoped3A = tpu.sem_alloc : memref<!tpu.dma_semaphore, #tpu.memory_space<semaphore_mem>>
        %dma_start3A_49 = arith.constant 0 : i32
        %dma_start3A_50 = tpu.memref_slice %arg3[%add3A, %mul3A_48, %dma_start3A_49] : memref<32x88x128xi32, #tpu.memory_space<hbm>> -> memref<1x8x128xi32, #tpu.memory_space<hbm>>
        %dma_start3A_51 = tpu.memref_squeeze %dma_start3A_50 : memref<1x8x128xi32, #tpu.memory_space<hbm>> -> memref<8x128xi32, #tpu.memory_space<hbm>>
        %dma_start3A_52 = arith.constant 0 : i32
        %dma_start3A_53 = tpu.memref_slice %arg3[%add3A, %mul3A_48, %dma_start3A_52] : memref<32x88x128xi32, #tpu.memory_space<hbm>> -> memref<1x8x128xi32, #tpu.memory_space<hbm>>
        %dma_start3A_54 = tpu.memref_squeeze %dma_start3A_53 : memref<1x8x128xi32, #tpu.memory_space<hbm>> -> memref<8x128xi32, #tpu.memory_space<hbm>>
        tpu.enqueue_dma source(%dma_start3A_54 : memref<8x128xi32, #tpu.memory_space<hbm>>) target(%arg8 : memref<8x128xi32, #tpu.memory_space<vmem>>) target_semaphore(%run_scoped3A : memref<!tpu.dma_semaphore, #tpu.memory_space<semaphore_mem>>)
        %dma_wait3A_55 = arith.constant 0 : i32
        %dma_wait3A_56 = tpu.memref_slice %arg3[%add3A, %mul3A_48, %dma_wait3A_55] : memref<32x88x128xi32, #tpu.memory_space<hbm>> -> memref<1x8x128xi32, #tpu.memory_space<hbm>>
        %dma_wait3A_57 = tpu.memref_squeeze %dma_wait3A_56 : memref<1x8x128xi32, #tpu.memory_space<hbm>> -> memref<8x128xi32, #tpu.memory_space<hbm>>
        %dma_wait3A_58 = arith.constant 0 : i32
        %dma_wait3A_59 = tpu.memref_slice %arg3[%add3A, %mul3A_48, %dma_wait3A_58] : memref<32x88x128xi32, #tpu.memory_space<hbm>> -> memref<1x8x128xi32, #tpu.memory_space<hbm>>
        %dma_wait3A_60 = tpu.memref_squeeze %dma_wait3A_59 : memref<1x8x128xi32, #tpu.memory_space<hbm>> -> memref<8x128xi32, #tpu.memory_space<hbm>>
        tpu.wait_dma2 semaphore(%run_scoped3A : memref<!tpu.dma_semaphore, #tpu.memory_space<semaphore_mem>>) src(%dma_wait3A_60 : memref<8x128xi32, #tpu.memory_space<hbm>>) dst(%arg8 : memref<8x128xi32, #tpu.memory_space<vmem>>)
        tpu.yield
      }) : () -> ()
    }
    %scan3A_20 = arith.constant 11 : i32
    %dma_wait3A = arith.constant 0 : i32
    %dma_wait3A_21 = arith.constant 0 : i32
    %dma_wait3A_22 = tpu.memref_slice %arg4[%dma_wait3A, %dma_wait3A_21] : memref<10240x128xf32, #tpu.memory_space<hbm>> -> memref<128x128xf32, #tpu.memory_space<hbm>>
    %dma_wait3A_23 = arith.constant 0 : i32
    %dma_wait3A_24 = arith.constant 0 : i32
    %dma_wait3A_25 = tpu.memref_slice %arg4[%dma_wait3A_23, %dma_wait3A_24] : memref<10240x128xf32, #tpu.memory_space<hbm>> -> memref<128x128xf32, #tpu.memory_space<hbm>>
    tpu.wait_dma2 semaphore(%arg12 : memref<!tpu.dma_semaphore, #tpu.memory_space<semaphore_mem>>) src(%dma_wait3A_25 : memref<128x128xf32, #tpu.memory_space<hbm>>) dst(%arg9 : memref<128x128xf32, #tpu.memory_space<vmem>>)
    %dma_wait3A_26 = arith.constant 0 : i32
    %dma_wait3A_27 = arith.constant 0 : i32
    %dma_wait3A_28 = tpu.memref_slice %arg4[%dma_wait3A_26, %dma_wait3A_27] : memref<10240x128xf32, #tpu.memory_space<hbm>> -> memref<128x128xf32, #tpu.memory_space<hbm>>
    %dma_wait3A_29 = arith.constant 0 : i32
    %dma_wait3A_30 = arith.constant 0 : i32
    %dma_wait3A_31 = tpu.memref_slice %arg4[%dma_wait3A_29, %dma_wait3A_30] : memref<10240x128xf32, #tpu.memory_space<hbm>> -> memref<128x128xf32, #tpu.memory_space<hbm>>
    tpu.wait_dma2 semaphore(%arg13 : memref<!tpu.dma_semaphore, #tpu.memory_space<semaphore_mem>>) src(%dma_wait3A_31 : memref<128x128xf32, #tpu.memory_space<hbm>>) dst(%arg10 : memref<128x128xf32, #tpu.memory_space<vmem>>)
    %barrier3A_32 = arith.constant 0 : index
    tpu.barrier barrier_id(%barrier3A_32)
    %mul3A_33 = arith.constant 640 : i32
    %mul3A_34 = arith.muli %arg1, %mul3A_33 : i32
    %mul3A_35 = arith.constant 640 : i32
    %mul3A_36 = arith.muli %arg1, %mul3A_35 : i32
    "tpu.region"() ({
      %run_scoped3A = tpu.sem_alloc : memref<!tpu.dma_semaphore, #tpu.memory_space<semaphore_mem>>
      %dma_start3A_37 = arith.constant 0 : i32
      %dma_start3A_38 = tpu.memref_slice %arg6[%arg0, %mul3A_36, %dma_start3A_37] : memref<2x10240x128xf32, #tpu.memory_space<hbm>> -> memref<1x640x128xf32, #tpu.memory_space<hbm>>
      %dma_start3A_39 = tpu.memref_squeeze %dma_start3A_38 : memref<1x640x128xf32, #tpu.memory_space<hbm>> -> memref<640x128xf32, #tpu.memory_space<hbm>>
      %dma_start3A_40 = arith.constant 0 : i32
      %dma_start3A_41 = tpu.memref_slice %arg11[%mul3A_34, %dma_start3A_40] : memref<10240x128xf32, #tpu.memory_space<vmem_shared>> -> memref<640x128xf32, #tpu.memory_space<vmem_shared>>
      tpu.enqueue_dma source(%dma_start3A_41 : memref<640x128xf32, #tpu.memory_space<vmem_shared>>) target(%dma_start3A_39 : memref<640x128xf32, #tpu.memory_space<hbm>>) target_semaphore(%run_scoped3A : memref<!tpu.dma_semaphore, #tpu.memory_space<semaphore_mem>>)
      %dma_wait3A_42 = arith.constant 0 : i32
      %dma_wait3A_43 = tpu.memref_slice %arg6[%arg0, %mul3A_36, %dma_wait3A_42] : memref<2x10240x128xf32, #tpu.memory_space<hbm>> -> memref<1x640x128xf32, #tpu.memory_space<hbm>>
      %dma_wait3A_44 = tpu.memref_squeeze %dma_wait3A_43 : memref<1x640x128xf32, #tpu.memory_space<hbm>> -> memref<640x128xf32, #tpu.memory_space<hbm>>
      %dma_wait3A_45 = arith.constant 0 : i32
      %dma_wait3A_46 = tpu.memref_slice %arg11[%mul3A_34, %dma_wait3A_45] : memref<10240x128xf32, #tpu.memory_space<vmem_shared>> -> memref<640x128xf32, #tpu.memory_space<vmem_shared>>
      tpu.wait_dma2 semaphore(%run_scoped3A : memref<!tpu.dma_semaphore, #tpu.memory_space<semaphore_mem>>) src(%dma_wait3A_46 : memref<640x128xf32, #tpu.memory_space<vmem_shared>>) dst(%dma_wait3A_44 : memref<640x128xf32, #tpu.memory_space<hbm>>)
      tpu.yield
    }) : () -> ()
    return
  }
}

module attributes {stable_mosaic.version = 14 : i64} {
  func.func @_mm_scale_body(%arg0: i32, %arg1: memref<2x512x128xf32, #tpu.memory_space<vmem>>, %arg2: memref<512x128xf32, #tpu.memory_space<vmem>>, %arg3: memref<128x128xf32, #tpu.memory_space<vmem>>, %arg4: memref<512x128xf32, #tpu.memory_space<vmem>>) attributes {dimension_semantics = [#tpu.dimension_semantics<arbitrary>], iteration_bounds = array<i64: 20>, scalar_prefetch = 0 : i64, scratch_operands = 0 : i64, tpu.core_type = #tpu.core_type<tc>, window_params = [{transform_indices = @transform_0, window_bounds = array<i64: 2, 512, 128>}, {transform_indices = @transform_1, window_bounds = array<i64: 512, 128>}, {pipeline_mode = #tpu.pipeline_mode<synchronous>, transform_indices = @transform_2, window_bounds = array<i64: 128, 128>}, {transform_indices = @transform_3, window_bounds = array<i64: 512, 128>}]} {
    %get3A = arith.constant 0 : index
    %get3A_0 = arith.constant 0 : index
    %get3A_1 = arith.constant 0 : index
    %get3A_2 = vector.load %arg1[%get3A, %get3A_0, %get3A_1] : memref<2x512x128xf32, #tpu.memory_space<vmem>>, vector<2x512x128xf32>
    %slice3A = vector.extract_strided_slice %get3A_2 {offsets = [0, 0, 0], sizes = [1, 512, 1], strides = [1, 1, 1]} : vector<2x512x128xf32> to vector<1x512x1xf32>
    %squeeze3A = vector.shape_cast %slice3A : vector<1x512x1xf32> to vector<512x1xf32>
    %slice3A_3 = vector.extract_strided_slice %get3A_2 {offsets = [1, 0, 0], sizes = [1, 512, 1], strides = [1, 1, 1]} : vector<2x512x128xf32> to vector<1x512x1xf32>
    %squeeze3A_4 = vector.shape_cast %slice3A_3 : vector<1x512x1xf32> to vector<512x1xf32>
    %add3A = arith.addf %squeeze3A, %squeeze3A_4 : vector<512x1xf32>
    %gt3A = arith.constant 0.000000e+00 : f32
    %gt3A_5 = vector.broadcast %gt3A : f32 to vector<512x1xf32>
    %gt3A_6 = arith.cmpf ogt, %add3A, %gt3A_5 : vector<512x1xf32>
    %rsqrt3A = math.rsqrt %add3A : vector<512x1xf32>
    %jit3A = arith.constant 0.000000e+00 : f32
    %broadcast_in_dim3A = vector.broadcast %jit3A : f32 to vector<512x1xf32>
    %select_n3A = arith.select %gt3A_6, %rsqrt3A, %broadcast_in_dim3A : vector<512x1xi1>, vector<512x1xf32>
    %get3A_7 = arith.constant 0 : index
    %get3A_8 = arith.constant 0 : index
    %get3A_9 = vector.load %arg2[%get3A_7, %get3A_8] : memref<512x128xf32, #tpu.memory_space<vmem>>, vector<512x128xf32>
    %get3A_10 = arith.constant 0 : index
    %get3A_11 = arith.constant 0 : index
    %get3A_12 = vector.load %arg3[%get3A_10, %get3A_11] : memref<128x128xf32, #tpu.memory_space<vmem>>, vector<128x128xf32>
    %dot_general3A = arith.constant dense<0.000000e+00> : vector<512x128xf32>
    %dot_general3A_13 = tpu.matmul %get3A_9, %get3A_12, %dot_general3A {dimension_numbers = #tpu.dot_dimension_numbers<[1], [0], [0], [1], [0, 0, 1, 1], [], []>, transpose_lhs_hint = false} : vector<512x128xf32>, vector<128x128xf32>, vector<512x128xf32> -> vector<512x128xf32>
    %mul3A = vector.broadcast %select_n3A : vector<512x1xf32> to vector<512x128xf32>
    %mul3A_14 = arith.mulf %mul3A, %dot_general3A_13 : vector<512x128xf32>
    %swap3A = arith.constant 0 : index
    %swap3A_15 = arith.constant 0 : index
    %swap3A_16 = vector.load %arg4[%swap3A, %swap3A_15] : memref<512x128xf32, #tpu.memory_space<vmem>>, vector<512x128xf32>
    tpu.vector_store %arg4[%swap3A, %swap3A_15], %mul3A_14 {strides = array<i32>} : memref<512x128xf32, #tpu.memory_space<vmem>>, vector<512x128xf32>,
    return
  }
  func.func @transform_0(%arg0: i32) -> (i32, i32, i32) {
    %c0_i32 = arith.constant 0 : i32
    %c0_i32_0 = arith.constant 0 : i32
    %c0_i32_1 = arith.constant 0 : i32
    return %c0_i32, %arg0, %c0_i32_0 : i32, i32, i32
  }
  func.func @transform_1(%arg0: i32) -> (i32, i32) {
    %c0_i32 = arith.constant 0 : i32
    %c0_i32_0 = arith.constant 0 : i32
    return %arg0, %c0_i32 : i32, i32
  }
  func.func @transform_2(%arg0: i32) -> (i32, i32) {
    %c0_i32 = arith.constant 0 : i32
    %c0_i32_0 = arith.constant 0 : i32
    %c0_i32_1 = arith.constant 0 : i32
    return %c0_i32, %c0_i32_0 : i32, i32
  }
  func.func @transform_3(%arg0: i32) -> (i32, i32) {
    %c0_i32 = arith.constant 0 : i32
    %c0_i32_0 = arith.constant 0 : i32
    return %arg0, %c0_i32 : i32, i32
  }
}

module attributes {stable_mosaic.version = 14 : i64} {
  func.func @_layer2_body(%arg0: i32, %arg1: memref<2x512x128xf32, #tpu.memory_space<vmem>>, %arg2: memref<2x512x128xf32, #tpu.memory_space<vmem>>, %arg3: memref<1x128xf32, #tpu.memory_space<vmem>>, %arg4: memref<128x128xf32, #tpu.memory_space<vmem>>, %arg5: memref<512x128xf32, #tpu.memory_space<vmem>>) attributes {dimension_semantics = [#tpu.dimension_semantics<arbitrary>], iteration_bounds = array<i64: 20>, scalar_prefetch = 0 : i64, scratch_operands = 0 : i64, tpu.core_type = #tpu.core_type<tc>, window_params = [{transform_indices = @transform_0, window_bounds = array<i64: 2, 512, 128>}, {transform_indices = @transform_1, window_bounds = array<i64: 2, 512, 128>}, {pipeline_mode = #tpu.pipeline_mode<synchronous>, transform_indices = @transform_2, window_bounds = array<i64: 1, 128>}, {pipeline_mode = #tpu.pipeline_mode<synchronous>, transform_indices = @transform_3, window_bounds = array<i64: 128, 128>}, {transform_indices = @transform_4, window_bounds = array<i64: 512, 128>}]} {
    %get3A = arith.constant 0 : index
    %get3A_0 = arith.constant 0 : index
    %get3A_1 = arith.constant 0 : index
    %get3A_2 = vector.load %arg1[%get3A, %get3A_0, %get3A_1] : memref<2x512x128xf32, #tpu.memory_space<vmem>>, vector<2x512x128xf32>
    %slice3A = vector.extract_strided_slice %get3A_2 {offsets = [0, 0, 0], sizes = [1, 512, 1], strides = [1, 1, 1]} : vector<2x512x128xf32> to vector<1x512x1xf32>
    %squeeze3A = vector.shape_cast %slice3A : vector<1x512x1xf32> to vector<512x1xf32>
    %slice3A_3 = vector.extract_strided_slice %get3A_2 {offsets = [1, 0, 0], sizes = [1, 512, 1], strides = [1, 1, 1]} : vector<2x512x128xf32> to vector<1x512x1xf32>
    %squeeze3A_4 = vector.shape_cast %slice3A_3 : vector<1x512x1xf32> to vector<512x1xf32>
    %add3A = arith.addf %squeeze3A, %squeeze3A_4 : vector<512x1xf32>
    %gt3A = arith.constant 0.000000e+00 : f32
    %gt3A_5 = vector.broadcast %gt3A : f32 to vector<512x1xf32>
    %gt3A_6 = arith.cmpf ogt, %add3A, %gt3A_5 : vector<512x1xf32>
    %rsqrt3A = math.rsqrt %add3A : vector<512x1xf32>
    %jit3A = arith.constant 0.000000e+00 : f32
    %broadcast_in_dim3A = vector.broadcast %jit3A : f32 to vector<512x1xf32>
    %select_n3A = arith.select %gt3A_6, %rsqrt3A, %broadcast_in_dim3A : vector<512x1xi1>, vector<512x1xf32>
    %get3A_7 = arith.constant 0 : index
    %get3A_8 = arith.constant 0 : index
    %get3A_9 = arith.constant 0 : index
    %get3A_10 = vector.load %arg2[%get3A_7, %get3A_8, %get3A_9] : memref<2x512x128xf32, #tpu.memory_space<vmem>>, vector<1x512x128xf32>
    %get3A_11 = vector.shape_cast %get3A_10 : vector<1x512x128xf32> to vector<512x128xf32>
    %get3A_12 = arith.constant 1 : index
    %get3A_13 = arith.constant 0 : index
    %get3A_14 = arith.constant 0 : index
    %get3A_15 = vector.load %arg2[%get3A_12, %get3A_13, %get3A_14] : memref<2x512x128xf32, #tpu.memory_space<vmem>>, vector<1x512x128xf32>
    %get3A_16 = vector.shape_cast %get3A_15 : vector<1x512x128xf32> to vector<512x128xf32>
    %add3A_17 = arith.addf %get3A_11, %get3A_16 : vector<512x128xf32>
    %mul3A = vector.broadcast %select_n3A : vector<512x1xf32> to vector<512x128xf32>
    %mul3A_18 = arith.mulf %mul3A, %add3A_17 : vector<512x128xf32>
    %get3A_19 = arith.constant 0 : index
    %get3A_20 = arith.constant 0 : index
    %get3A_21 = vector.load %arg3[%get3A_19, %get3A_20] : memref<1x128xf32, #tpu.memory_space<vmem>>, vector<1x128xf32>
    %add3A_22 = vector.broadcast %get3A_21 : vector<1x128xf32> to vector<512x128xf32>
    %add3A_23 = arith.addf %mul3A_18, %add3A_22 : vector<512x128xf32>
    %max3A = arith.constant 0.000000e+00 : f32
    %max3A_24 = vector.broadcast %max3A : f32 to vector<512x128xf32>
    %max3A_25 = arith.maximumf %add3A_23, %max3A_24 : vector<512x128xf32>
    %get3A_26 = arith.constant 0 : index
    %get3A_27 = arith.constant 0 : index
    %get3A_28 = vector.load %arg4[%get3A_26, %get3A_27] : memref<128x128xf32, #tpu.memory_space<vmem>>, vector<128x128xf32>
    %dot_general3A = arith.constant dense<0.000000e+00> : vector<512x128xf32>
    %dot_general3A_29 = tpu.matmul %max3A_25, %get3A_28, %dot_general3A {dimension_numbers = #tpu.dot_dimension_numbers<[1], [0], [0], [1], [0, 0, 1, 1], [], []>, transpose_lhs_hint = false} : vector<512x128xf32>, vector<128x128xf32>, vector<512x128xf32> -> vector<512x128xf32>
    %mul3A_30 = vector.broadcast %select_n3A : vector<512x1xf32> to vector<512x128xf32>
    %mul3A_31 = arith.mulf %mul3A_30, %dot_general3A_29 : vector<512x128xf32>
    %swap3A = arith.constant 0 : index
    %swap3A_32 = arith.constant 0 : index
    %swap3A_33 = vector.load %arg5[%swap3A, %swap3A_32] : memref<512x128xf32, #tpu.memory_space<vmem>>, vector<512x128xf32>
    tpu.vector_store %arg5[%swap3A, %swap3A_32], %mul3A_31 {strides = array<i32>} : memref<512x128xf32, #tpu.memory_space<vmem>>, vector<512x128xf32>,
    return
  }
  func.func @transform_0(%arg0: i32) -> (i32, i32, i32) {
    %c0_i32 = arith.constant 0 : i32
    %c0_i32_0 = arith.constant 0 : i32
    %c0_i32_1 = arith.constant 0 : i32
    return %c0_i32, %arg0, %c0_i32_0 : i32, i32, i32
  }
  func.func @transform_1(%arg0: i32) -> (i32, i32, i32) {
    %c0_i32 = arith.constant 0 : i32
    %c0_i32_0 = arith.constant 0 : i32
    %c0_i32_1 = arith.constant 0 : i32
    return %c0_i32, %arg0, %c0_i32_0 : i32, i32, i32
  }
  func.func @transform_2(%arg0: i32) -> (i32, i32) {
    %c0_i32 = arith.constant 0 : i32
    %c0_i32_0 = arith.constant 0 : i32
    %c0_i32_1 = arith.constant 0 : i32
    return %c0_i32, %c0_i32_0 : i32, i32
  }
  func.func @transform_3(%arg0: i32) -> (i32, i32) {
    %c0_i32 = arith.constant 0 : i32
    %c0_i32_0 = arith.constant 0 : i32
    %c0_i32_1 = arith.constant 0 : i32
    return %c0_i32, %c0_i32_0 : i32, i32
  }
  func.func @transform_4(%arg0: i32) -> (i32, i32) {
    %c0_i32 = arith.constant 0 : i32
    %c0_i32_0 = arith.constant 0 : i32
    return %arg0, %c0_i32 : i32, i32
  }
}

module attributes {stable_mosaic.version = 14 : i64} {
  func.func @_final_body(%arg0: i32, %arg1: memref<2x2000x128xf32, #tpu.memory_space<vmem>>, %arg2: memref<2x2000x128xf32, #tpu.memory_space<vmem>>, %arg3: memref<1x128xf32, #tpu.memory_space<vmem>>, %arg4: memref<1x128xf32, #tpu.memory_space<vmem>>) attributes {dimension_semantics = [#tpu.dimension_semantics<arbitrary>], iteration_bounds = array<i64: 5>, scalar_prefetch = 0 : i64, scratch_operands = 0 : i64, tpu.core_type = #tpu.core_type<tc>, window_params = [{transform_indices = @transform_0, window_bounds = array<i64: 2, 2000, 128>}, {transform_indices = @transform_1, window_bounds = array<i64: 2, 2000, 128>}, {pipeline_mode = #tpu.pipeline_mode<synchronous>, transform_indices = @transform_2, window_bounds = array<i64: 1, 128>}, {pipeline_mode = #tpu.pipeline_mode<synchronous>, transform_indices = @transform_3, window_bounds = array<i64: 1, 128>}]} {
    %get3A = arith.constant 0 : index
    %get3A_0 = arith.constant 0 : index
    %get3A_1 = arith.constant 0 : index
    %get3A_2 = vector.load %arg1[%get3A, %get3A_0, %get3A_1] : memref<2x2000x128xf32, #tpu.memory_space<vmem>>, vector<2x2000x128xf32>
    %slice3A = vector.extract_strided_slice %get3A_2 {offsets = [0, 0, 0], sizes = [1, 2000, 1], strides = [1, 1, 1]} : vector<2x2000x128xf32> to vector<1x2000x1xf32>
    %squeeze3A = vector.shape_cast %slice3A : vector<1x2000x1xf32> to vector<2000x1xf32>
    %slice3A_3 = vector.extract_strided_slice %get3A_2 {offsets = [1, 0, 0], sizes = [1, 2000, 1], strides = [1, 1, 1]} : vector<2x2000x128xf32> to vector<1x2000x1xf32>
    %squeeze3A_4 = vector.shape_cast %slice3A_3 : vector<1x2000x1xf32> to vector<2000x1xf32>
    %add3A = arith.addf %squeeze3A, %squeeze3A_4 : vector<2000x1xf32>
    %gt3A = arith.constant 0.000000e+00 : f32
    %gt3A_5 = vector.broadcast %gt3A : f32 to vector<2000x1xf32>
    %gt3A_6 = arith.cmpf ogt, %add3A, %gt3A_5 : vector<2000x1xf32>
    %rsqrt3A = math.rsqrt %add3A : vector<2000x1xf32>
    %jit3A = arith.constant 0.000000e+00 : f32
    %broadcast_in_dim3A = vector.broadcast %jit3A : f32 to vector<2000x1xf32>
    %select_n3A = arith.select %gt3A_6, %rsqrt3A, %broadcast_in_dim3A : vector<2000x1xi1>, vector<2000x1xf32>
    %get3A_7 = arith.constant 0 : index
    %get3A_8 = arith.constant 0 : index
    %get3A_9 = arith.constant 0 : index
    %get3A_10 = vector.load %arg2[%get3A_7, %get3A_8, %get3A_9] : memref<2x2000x128xf32, #tpu.memory_space<vmem>>, vector<1x2000x128xf32>
    %get3A_11 = vector.shape_cast %get3A_10 : vector<1x2000x128xf32> to vector<2000x128xf32>
    %get3A_12 = arith.constant 1 : index
    %get3A_13 = arith.constant 0 : index
    %get3A_14 = arith.constant 0 : index
    %get3A_15 = vector.load %arg2[%get3A_12, %get3A_13, %get3A_14] : memref<2x2000x128xf32, #tpu.memory_space<vmem>>, vector<1x2000x128xf32>
    %get3A_16 = vector.shape_cast %get3A_15 : vector<1x2000x128xf32> to vector<2000x128xf32>
    %add3A_17 = arith.addf %get3A_11, %get3A_16 : vector<2000x128xf32>
    %mul3A = vector.broadcast %select_n3A : vector<2000x1xf32> to vector<2000x128xf32>
    %mul3A_18 = arith.mulf %mul3A, %add3A_17 : vector<2000x128xf32>
    %get3A_19 = arith.constant 0 : index
    %get3A_20 = arith.constant 0 : index
    %get3A_21 = vector.load %arg3[%get3A_19, %get3A_20] : memref<1x128xf32, #tpu.memory_space<vmem>>, vector<1x128xf32>
    %add3A_22 = vector.broadcast %get3A_21 : vector<1x128xf32> to vector<2000x128xf32>
    %add3A_23 = arith.addf %mul3A_18, %add3A_22 : vector<2000x128xf32>
    %max3A = arith.constant 0.000000e+00 : f32
    %max3A_24 = vector.broadcast %max3A : f32 to vector<2000x128xf32>
    %max3A_25 = arith.maximumf %add3A_23, %max3A_24 : vector<2000x128xf32>
    %reduce_sum3A = arith.constant dense<0.000000e+00> : vector<128xf32>
    %reduce_sum3A_26 = vector.multi_reduction <add>, %max3A_25, %reduce_sum3A [0] : vector<2000x128xf32> to vector<128xf32>
    %broadcast_in_dim3A_27 = vector.shape_cast %reduce_sum3A_26 : vector<128xf32> to vector<1x128xf32>
    %mul3A_28 = arith.constant 9.99999974E-5 : f32
    %mul3A_29 = vector.broadcast %mul3A_28 : f32 to vector<1x128xf32>
    %mul3A_30 = arith.mulf %broadcast_in_dim3A_27, %mul3A_29 : vector<1x128xf32>
    %eq3A = arith.constant 0 : i32
    %eq3A_31 = arith.cmpi eq, %arg0, %eq3A : i32
    %convert_element_type3A = arith.extui %eq3A_31 : i1 to i32
    %cond3A = arith.constant 0 : i32
    %cond3A_32 = arith.cmpi ne, %convert_element_type3A, %cond3A : i32
    scf.if %cond3A_32 {
      %swap3A = arith.constant 0 : index
      %swap3A_38 = arith.constant 0 : index
      %swap3A_39 = vector.load %arg4[%swap3A, %swap3A_38] : memref<1x128xf32, #tpu.memory_space<vmem>>, vector<1x128xf32>
      tpu.vector_store %arg4[%swap3A, %swap3A_38], %mul3A_30 {strides = array<i32>} : memref<1x128xf32, #tpu.memory_space<vmem>>, vector<1x128xf32>,
    } else {
    }
    %gt3A_33 = arith.constant 0 : i32
    %gt3A_34 = arith.cmpi sgt, %arg0, %gt3A_33 : i32
    %convert_element_type3A_35 = arith.extui %gt3A_34 : i1 to i32
    %cond3A_36 = arith.constant 0 : i32
    %cond3A_37 = arith.cmpi ne, %convert_element_type3A_35, %cond3A_36 : i32
    scf.if %cond3A_37 {
      %get3A_38 = arith.constant 0 : index
      %get3A_39 = arith.constant 0 : index
      %get3A_40 = vector.load %arg4[%get3A_38, %get3A_39] : memref<1x128xf32, #tpu.memory_space<vmem>>, vector<1x128xf32>
      %add3A_41 = arith.addf %get3A_40, %mul3A_30 : vector<1x128xf32>
      %swap3A = arith.constant 0 : index
      %swap3A_42 = arith.constant 0 : index
      %swap3A_43 = vector.load %arg4[%swap3A, %swap3A_42] : memref<1x128xf32, #tpu.memory_space<vmem>>, vector<1x128xf32>
      tpu.vector_store %arg4[%swap3A, %swap3A_42], %add3A_41 {strides = array<i32>} : memref<1x128xf32, #tpu.memory_space<vmem>>, vector<1x128xf32>,
    } else {
    }
    return
  }
  func.func @transform_0(%arg0: i32) -> (i32, i32, i32) {
    %c0_i32 = arith.constant 0 : i32
    %c0_i32_0 = arith.constant 0 : i32
    %c0_i32_1 = arith.constant 0 : i32
    return %c0_i32, %arg0, %c0_i32_0 : i32, i32, i32
  }
  func.func @transform_1(%arg0: i32) -> (i32, i32, i32) {
    %c0_i32 = arith.constant 0 : i32
    %c0_i32_0 = arith.constant 0 : i32
    %c0_i32_1 = arith.constant 0 : i32
    return %c0_i32, %arg0, %c0_i32_0 : i32, i32, i32
  }
  func.func @transform_2(%arg0: i32) -> (i32, i32) {
    %c0_i32 = arith.constant 0 : i32
    %c0_i32_0 = arith.constant 0 : i32
    %c0_i32_1 = arith.constant 0 : i32
    return %c0_i32, %c0_i32_0 : i32, i32
  }
  func.func @transform_3(%arg0: i32) -> (i32, i32) {
    %c0_i32 = arith.constant 0 : i32
    %c0_i32_0 = arith.constant 0 : i32
    %c0_i32_1 = arith.constant 0 : i32
    return %c0_i32, %c0_i32_0 : i32, i32
  }
}

</mosaic_0001>

<sc_bundles>
// kernel: kernel.11.cloned.1.call-start
scs
__scs_entry_jumppad:
0x0: {  	(pc) =	sbr.rel $0x88, $3  }
0x1: {  	(tag) =	ssettag $0x0;
	lr =	simm.s32 $0x1  }
0x2: {  	[smem:$0x3F9B] =	sst lr;
	_ =	strace $0xD0000000  }
0x3: {  	_ = 	snop  }
0x4: {  	_ = 	snop  }
0x5: {  	_ = 	snop  }
0x6: {  	_ = 	snop  }
0x7: {  	_ = 	snop  }
__scs_overlays_trampoline_lowered:
0x8: {  	[smem:$0x3FAA] =	sst s0  }
0x9: {  	[smem:$0x3FAB] =	sst s1  }
0xa: {  	[smem:$0x3FAC] =	sst s2  }
0xb: {  	[smem:$0x3FAD] =	sst s3  }
0xc: {  	[smem:$0x3FAE] =	sst s4  }
0xd: {  	[smem:$0x3FAF] =	sst s5  }
0xe: {  	[smem:$0x3FB0] =	sst s6  }
0xf: {  	[smem:$0x3FB1] =	sst s7  }
0x10: {  	[smem:$0x3FB2] =	sst s8  }
0x11: {  	[smem:$0x3FB3] =	sst s9;
	s0 =	simm.s32 @!p0 $0x0  }
0x12: {  	s1 =	sld [smem:$0x3F99];
	s0 =	simm.s32 @p0 $0x1  }
0x13: {  	[smem:$0x3FB4] =	sst s0;
	s0 =	simm.s32 @!p1 $0x0  }
0x14: {  	s2 =	sld [smem:$0x3F98];
	s0 =	simm.s32 @p1 $0x1  }
0x15: {  	[smem:$0x3FB5] =	sst s0;
	s0 =	simm.s32 @!p2 $0x0  }
0x16: {  	s3 =	sld [smem:$0x3FDB];
	s0 =	simm.s32 @p2 $0x1  }
0x17: {  	s4 =	simm.s32 $0x1BF5;
	[smem:$0x3FB7] =	sst s0  }
0x18: {  	s0 =	sld [smem:$0x3F9A];
	_ =	swait.ge [sflag:s4], $0x0  }
0x19: {  	s7 =	sld [smem:$0x3F9B]  }
0x1a: {  	s8 =	sadd.s32 $0xFFFFE003, lr  }
0x1b: {  	s9 =	sadd.s32 $0xFFFFFEF7, lr;
	s5 =	simm.s32 $0xFFFFFFFF;
	p2 =	slt.u32 s8, $0xFFFFF086  }
0x1c: {  	p1 =	slt.u32 s9, $0xF7A;
	s5 =	simm.s32 @!p2 $0x0  }
0x1d: {  	s5 =	simm.s32 @p1 $0x1;
	p0 =	seq.s32 s7, s2  }
0x1e: {  	s7 =	smul.u32 @!p0 $0xF7A, s2;
	p2 =	seq.s32 @!p0 s5, $0x0  }
0x1f: {  	s9 =	smul.u32 $0xF7A, s1;
	s8 =	simm.s32 @!p0 $0x1BF5;
	p2 =	por !p2, p0  }
0x20: {  	[sflag:s8] =	ssyncset.s32 @!p0 $0xFFFFF086;
	s6 =	sadd.s32 @!p0 s3, s7;
	s7 =	simm.s32 @!p0 $0x108  }
0x21: {  	s3 =	sadd.s32 s3, s9;
	s6 =	sadd.s32 @!p0 $0x88, s6;
	s7 =	simm.s32 @p2 $0x1082  }
0x22: {  	[simem:s7], [sflag:s8] =	dma.local @!p0 [hbm:s6], $0xF7A  }
0x23: {  	s9 =	sor.u32 $0xD0000000, s2;
	s6 =	simm.s32 $0x108;
	_ =	swait.ge @!p0 [sflag:s8], $0x0  }
0x24: {  	s3 =	sadd.s32 $0x88, s3;
	s6 =	simm.s32 @!p1 $0x1082;
	[sflag:s4] =	ssyncset.s32 $0xFFFFF086  }
0x25: {  	[simem:s6], [sflag:s4] =	dma.local [hbm:s3], $0xF7A  }
0x26: {  	[smem:$0x3F9B] =	sst s1;
	(tag) =	ssettag s2;
	_ =	strace s9  }
0x27: {  	s1 =	sld [smem:$0x3FAB]  }
0x28: {  	s2 =	sld [smem:$0x3FAC]  }
0x29: {  	s4 =	sld [smem:$0x3FAE]  }
0x2a: {  	p0 =	seq.s32 s5, $0x0;
	s5 =	sld [smem:$0x3FAF]  }
0x2b: {  	s6 =	sld [smem:$0x3FB0]  }
0x2c: {  	s7 =	sld [smem:$0x3FB1]  }
0x2d: {  	s3 =	simm.s32 $0x108;
	s8 =	sld [smem:$0x3FB2]  }
0x2e: {  	s3 =	simm.s32 @!p0 $0x1082;
	s9 =	sld [smem:$0x3FB3]  }
0x2f: {  	lr =	sadd.s32 s0, s3;
	s0 =	sld [smem:$0x3FAA]  }
0x30: {  	s3 =	sld [smem:$0x3FAD]  }
0x31: {  	[smem:$0x3FB6] =	sst s10  }
0x32: {  	s10 =	sld [smem:$0x3FB4];
	_ =	sdelay $0x3  }
0x33: {  	p0 =	seq.s32 s10, $0x1;
	s10 =	sld [smem:$0x3FB6];
	_ =	sdelay $0x3  }
0x34: {  	[smem:$0x3FB6] =	sst s10  }
0x35: {  	s10 =	sld [smem:$0x3FB5];
	_ =	sdelay $0x3  }
0x36: {  	p1 =	seq.s32 s10, $0x1;
	s10 =	sld [smem:$0x3FB6];
	_ =	sdelay $0x3  }
0x37: {  	[smem:$0x3FB6] =	sst s10  }
0x38: {  	s10 =	sld [smem:$0x3FB7]  }
0x39: {  	_ = 	snop;
	(pc) =	sbr.ind lr, $3  }
0x3a: {  	_ = 	snop  }
0x3b: {  	_ = 	snop  }
0x3c: {  	p2 =	seq.s32 s10, $0x1;
	s10 =	sld [smem:$0x3FB6]  }
0x3d: {  	_ =	shalt  }
0x3e: {  	_ =	shalt  }
0x3f: {  	_ =	shalt  }
0x40: {  	_ =	shalt  }
0x41: {  	_ =	shalt  }
0x42: {  	_ =	shalt  }
0x43: {  	_ =	shalt  }
0x44: {  	_ =	shalt  }
0x45: {  	_ =	shalt  }
0x46: {  	_ =	shalt  }
0x47: {  	_ =	shalt  }
0x48: {  	_ =	shalt  }
0x49: {  	_ =	shalt  }
0x4a: {  	_ =	shalt  }
0x4b: {  	_ =	shalt  }
0x4c: {  	_ =	shalt  }
0x4d: {  	_ =	shalt  }
0x4e: {  	_ =	shalt  }
0x4f: {  	_ =	shalt  }
0x50: {  	_ =	shalt  }
0x51: {  	_ =	shalt  }
0x52: {  	_ =	shalt  }
0x53: {  	_ =	shalt  }
0x54: {  	_ =	shalt  }
0x55: {  	_ =	shalt  }
0x56: {  	_ =	shalt  }
0x57: {  	_ =	shalt  }
0x58: {  	_ =	shalt  }
0x59: {  	_ =	shalt  }
0x5a: {  	_ =	shalt  }
0x5b: {  	_ =	shalt  }
0x5c: {  	_ =	shalt  }
0x5d: {  	_ =	shalt  }
0x5e: {  	_ =	shalt  }
0x5f: {  	_ =	shalt  }
0x60: {  	_ =	shalt  }
0x61: {  	_ =	shalt  }
0x62: {  	_ =	shalt  }
0x63: {  	_ =	shalt  }
0x64: {  	_ =	shalt  }
0x65: {  	_ =	shalt  }
0x66: {  	_ =	shalt  }
0x67: {  	_ =	shalt  }
0x68: {  	_ =	shalt  }
0x69: {  	_ =	shalt  }
0x6a: {  	_ =	shalt  }
0x6b: {  	_ =	shalt  }
0x6c: {  	_ =	shalt  }
0x6d: {  	_ =	shalt  }
0x6e: {  	_ =	shalt  }
0x6f: {  	_ =	shalt  }
0x70: {  	_ =	shalt  }
0x71: {  	_ =	shalt  }
0x72: {  	_ =	shalt  }
0x73: {  	_ =	shalt  }
0x74: {  	_ =	shalt  }
0x75: {  	_ =	shalt  }
0x76: {  	_ =	shalt  }
0x77: {  	_ =	shalt  }
0x78: {  	_ =	shalt  }
0x79: {  	_ =	shalt  }
0x7a: {  	_ =	shalt  }
0x7b: {  	_ =	shalt  }
0x7c: {  	_ =	shalt  }
0x7d: {  	_ =	shalt  }
0x7e: {  	_ =	shalt  }
0x7f: {  	_ =	shalt  }
0x80: {  	_ =	shalt  }
0x81: {  	_ =	shalt  }
0x82: {  	_ =	shalt  }
0x83: {  	_ =	shalt  }
0x84: {  	_ =	shalt  }
0x85: {  	_ =	shalt  }
0x86: {  	_ =	shalt  }
0x87: {  	_ =	shalt  }
.Lfunc_end0:
.L_simem_size_0:
called_computation.1_lowered:
.L_overlay_start_0:
0x88: {  	s2 =	sld [smem:$0x3FD9]  }
0x89: {  	s3 =	sld [smem:$0x3FFE];
	_ =	sdelay $0x1  }
0x8a: {  	s1 =	srdreg.scid  }
0x8b: {  	s0 =	sand.u32 $0x1, s1  }
0x8c: {  	s16 =	sshll.u32 s0, $0xA;
	s2 =	sadd.s32 s3, s2  }
0x8d: {  	s2 =	sadd.s32 s2, s16  }
0x8e: {  	[smem:$0x3FC2] =	sst s2  }
0x8f: {  	_ = 	snop  }
0x90: {  	(tm) =	ssettm $0x1  }
0x91: {  	s17 =	sld [smem:$0x3FFB];
	_ =	sdelay $0x3  }
0x92: {  	_ =	strace s17  }
0x93: {  	s2 =	sld [smem:$0x3FFC];
	_ =	sdelay $0x3  }
0x94: {  	_ =	strace s2  }
0x95: {  	s2 =	sld [smem:$0x3FFD];
	_ =	sdelay $0x3  }
0x96: {  	_ =	strace s2  }
0x97: {  	_ =	strace $0x8FFFFFFF  }
0x98: {  	s18 =	sld [smem:$0x3FDB];
	_ =	sdelay $0x1  }
0x99: {  	s19 =	simm.s32 $_scs_section_size  }
0x9a: {  	s4 =	simm.s32 $_size__tile_overlayer_lowered;
	s5 =	simm.s32 $_tile_overlayer_lowered  }
0x9b: {  	s22 =	simm.s32 $0x1BFF;
	s21 =	sshll.u32 s5, $0x1;
	s2 =	sadd.s32 s19, s18  }
0x9c: {  	s6 =	simm.s32 $0x0;
	s20 =	sshll.u32 s4, $0x1;
	s4 =	sadd.s32 s21, s2  }
0x9d: {  	[timem:s6], [sflag:s22] =	dma.local [hbm:s4], s20  }
0x9e: {  	_ =	swait.ge [sflag:s22], s20  }
0x9f: {  	s3 =	ssub.s32 $0x0, s20;
	[sflag:s22] =	ssyncset.done $0x0  }
0xa0: {  	[sflag:s22] =	ssyncadd.s32 s3;
	_ =	sdelay $0x1  }
0xa1: {  	s23 =	simm.s32 $0x1B8B  }
0xa2: {  	_ =	swait.ge [sflag:s23], $0x1  }
0xa3: {  	[sflag:s23] =	ssyncset.done $0x0  }
0xa4: {  	s25 =	simm.s32 $0x1B8E;
	s24 =	sld [smem:$0x3FFE];
	[sflag:s23] =	ssyncadd.s32 $0xFFFFFFFF  }
0xa5: {  	s26 =	simm.s32 $execute0_lowered;
	[smem:$0x3FD2] =	sst s25  }
0xa6: {  	s4 =	sshll.u32 s26, $0x1;
	_ =	strace $0x80000049;
	[dreg:$0x1] =	wrdreg $0xFFFFFFFF  }
0xa7: {  	s28 =	simm.s32 $_size_execute0_lowered;
	s2 =	sadd.s32 s2, s4;
	[dreg:$0x0] =	wrdreg $0x0  }
0xa8: {  	s4 =	sshll.u32 s28, $0x1;
	[dreg:$0x2] =	wrdreg s2  }
0xa9: {  	[dreg:$0x3] =	wrdreg s4  }
0xaa: {  	[dreg:$0x4] =	wrdreg $0xC0  }
0xab: {  	_ =	task [dreg:s6], $0x5FFFF  }
0xac: {  	[dreg:$0x1] =	wrdreg $0xFFFFFFFF  }
0xad: {  	[dreg:$0x0] =	wrdreg $0x60  }
0xae: {  	[dreg:$0x2] =	wrdreg s24  }
0xaf: {  	[dreg:$0x3] =	wrdreg $0xB0000  }
0xb0: {  	[dreg:$0x4] =	wrdreg $0x9  }
0xb1: {  	_ =	task.clear_ibuf [dreg:s6], $0x5FFFF;
	_ =	strace $0x90000049  }
0xb2: {  	s29 =	simm.s32 $0x9;
	_ =	strace $0x8000004B  }
0xb3: {  	_ =	swait.ge [sflag:s29], $0x1  }
0xb4: {  	[sflag:s29] =	ssyncadd.s32 $0xFFFFFFFF  }
0xb5: {  	_ =	strace $0x9000004B  }
0xb6: {  	_ =	sfence  }
0xb7: {  	s30 =	sld [smem:$0x0];
	_ =	sdelay $0x2  }
0xb8: {  	s31 =	sshll.u32 s1, $0xD;
	s1 =	sshrl.u32 s1, $0x2  }
0xb9: {  	s3 =	sand.u32 $0x4000, s31;
	s1 =	sadd.s32 s1, s30  }
0xba: {  	s0 =	sor.u32 s3, s0;
	s1 =	sshll.u32 s1, $0x11  }
0xbb: {  	s0 =	sor.u32 s1, s0  }
0xbc: {  	s0 =	sadd.s32 $0x8F2B, s0  }
0xbd: {  	[sflag:s0] =	ssyncadd.remote.s32 $0x1  }
0xbe: {  	_ =	sfence.sel $0xFFFF  }
0xbf: {  	[dreg:$0x0] =	wrdreg $0xFFFFFFFF;
	(pc) =	sbr.abs _section_cstart, $3  }
0xc0: {  	[dreg:$0x1] =	wrdreg $0xFFFFFFFF  }
0xc1: {  	_ =	task.clear_ibuf [dreg:s6], $0x2FFFF;
	_ =	strace $0x9FFFFFFF  }
0xc2: {  	(tm) =	ssettm $0x7FFFFFFF  }
0xc3: {  	_ =	shalt  }
tec
execute0_lowered:
.L_overlay_start_1:
0x0: {  	(tag) =	ssettag $0x1  }
0x1: {  	s1 =	srdreg.scid  }
0x2: {  	s0 =	stileid.u32;
	s9 =	rddreg [dreg:$0x0]  }
0x3: {  	s2 =	rddreg [dreg:$0x1];
	s4 =	simm.s32 $0x0;
	s31 =	simm.s32 $0x2C80  }
0x4: {  	s16 =	simm.s32 $0x2D00;
	s17 =	simm.s32 $0x2D80;
	s18 =	simm.s32 $0x2E00  }
0x5: {  	s19 =	simm.s32 $0x2E80;
	s8 =	sand.u32 $0x1, s1;
	s29 =	sshll.u32 s0, $0x1  }
0x6: {  	s20 =	simm.s32 $0x2F00;
	[smem:$0x7FF] =	sst s4;
	s1 =	sor.u32 s8, s29  }
0x7: {  	s21 =	simm.s32 $0x2F80;
	s3 =	smul.u32 $0x2C00, s1;
	s1 =	rddreg [dreg:$0x2]  }
0x8: {  	s7 =	smul.u32 $0x14000, s0;
	_ =	strace $0x8000004A;
	[dreg:$0x3] =	wrdreg s31  }
0x9: {  	s5 =	sadd.s32 $0x1C00, s9;
	s13 =	smul.u32 $0x50000, s0;
	[dreg:$0x4] =	wrdreg s16  }
0xa: {  	s6 =	smul.u32 $0x140000, s8;
	s8 =	ssub.s32 $0x2, s8;
	[dreg:$0x5] =	wrdreg s17  }
0xb: {  	s14 =	sshll.u32 s0, $0x6;
	s30 =	sshrl.u32 s8, $0x1;
	[dreg:$0x6] =	wrdreg s18  }
0xc: {  	s13 =	sshrl.u32 s13, $0x2;
	s16 =	simm.s32 $0x80;
	[dreg:$0x7] =	wrdreg s19  }
0xd: {  	s17 =	simm.s32 $0x3000;
	s18 =	simm.s32 $0x7000;
	[dreg:$0x8] =	wrdreg s20  }
0xe: {  	s19 =	simm.s32 $0x1;
	s20 =	simm.s32 $0x2;
	[dreg:$0x9] =	wrdreg s21  }
0xf: {  	s21 =	simm.s32 $0x0;
	s7 =	sadd.s32 s7, s6;
	s6 =	sadd.s32 $0xFC00, s9  }
0x10: {  	s15 =	ssub.s32 s8, s30;
	s13 =	sadd.s32 s13, s2;
	s8 =	sor.u32 $0x1C03, s14  }
0x11: {  	s14 =	simm.s32 $0x3;
	s10 =	sshrl.u32 s3, $0x3;
	s12 =	sshrl.u32 s7, $0x3  }
0x12: {  	s7 =	sadd.s32 $0xD400, s9;
	s13 =	sshrl.u32 s13, $0x3;
	s11 =	sadd.s32 s10, s9  }
0x13: {  	s12 =	sadd.s32 s12, s9;
	s10 =	sadd.s32 s5, s10;
	s9 =	sadd.s32 $0x5FC00, s11  }
0x14: {  	s11 =	sadd.s32 $0x6AC00, s12;
	s12 =	smax.u32 s15, $0x1;
	s15 =	simm.s32 $0x2C00  }
.LBB2_1:
0x15: {  	[spmem:s13], [sflag:s8] =	dma.local [hbm:s7], $0x2800  }
0x16: {  	_ =	swait.ge [sflag:s14], $0x2800  }
0x17: {  	[sflag:s14] =	ssyncset.done $0x0  }
0x18: {  	[sflag:s14] =	ssyncadd.s32 $0xFFFFD800  }
0x19: {  	[tilespmem:s4], [sflag:$0x3] =	stream.linear.gather [hbm4b:s9+s4], $0x2C00, $0x38;
	[tilespmem:$0x1F000] =	vst v63  }
0x1a: {  	_ =	swait.ge [sflag:s14], $0x2C00  }
0x1b: {  	[sflag:s14] =	ssyncset.done $0x0  }
0x1c: {  	[sflag:s14] =	ssyncadd.s32 $0xFFFFD400  }
0x1d: {  	[tilespmem:s15], [sflag:$0x3] =	stream.linear.gather [hbm4b:s10+s4], $0x400, $0x38;
	[tilespmem:$0x1F000] =	vst v63  }
0x1e: {  	_ =	swait.ge [sflag:s14], $0x400  }
0x1f: {  	[sflag:s14] =	ssyncset.done $0x0  }
0x20: {  	[sflag:s14] =	ssyncadd.s32 $0xFFFFFC00  }
0x21: {  	[bflag:$0x0] =	sbarrier.arrive $0xFFFF  }
0x22: {  	[tilespmem:s17], [sflag:$0x1] =	stream.indirect.gather [hbm4b:s6+s16], $0x80, s4, s16, $0xb8;
	[tilespmem:$0x1F000] =	vst v63  }
0x23: {  	_ = 	snop  }
0x24: {  	[tilespmem:s18], [sflag:$0x2] =	stream.indirect.gather [hbm4b:s6+s16], $0x80, s16, s16, $0xb8;
	[tilespmem:$0x1F000] =	vst v63  }
0x25: {  	_ =	swait.ge [sflag:s19], $0x4000  }
0x26: {  	[sflag:s19] =	ssyncset.done $0x0  }
0x27: {  	[sflag:s19] =	ssyncadd.s32 $0xFFFFC000  }
0x28: {  	[spmem:s2] =	stream.indirect.scatter.add.f32 [tilespmem:s17], [sflag:$0x3], $0x80, s15, s16, $0xb8;
	[tilespmem:$0x1F000] =	vst v63  }
0x29: {  	_ =	swait.ge [sflag:s14], $0x4000  }
0x2a: {  	[sflag:s14] =	ssyncset.done $0x0  }
0x2b: {  	s22 =	simm.s32 $0x100;
	[sflag:s14] =	ssyncadd.s32 $0xFFFFC000  }
0x2c: {  	[tilespmem:s17], [sflag:$0x1] =	stream.indirect.gather [hbm4b:s6+s16], $0x80, s22, s16, $0xb8;
	[tilespmem:$0x1F000] =	vst v63  }
0x2d: {  	_ =	swait.ge [sflag:s20], $0x4000  }
0x2e: {  	[sflag:s20] =	ssyncset.done $0x0  }
0x2f: {  	s26 =	rddreg [dreg:$0x3];
	[sflag:s20] =	ssyncadd.s32 $0xFFFFC000  }
0x30: {  	[spmem:s2] =	stream.indirect.scatter.add.f32 [tilespmem:s18], [sflag:$0x3], $0x80, s26, s16, $0xb8;
	[tilespmem:$0x1F000] =	vst v63  }
0x31: {  	_ =	swait.ge [sflag:s14], $0x4000  }
0x32: {  	[sflag:s14] =	ssyncset.done $0x0  }
0x33: {  	s28 =	simm.s32 $0x180;
	[sflag:s14] =	ssyncadd.s32 $0xFFFFC000  }
0x34: {  	[tilespmem:s18], [sflag:$0x2] =	stream.indirect.gather [hbm4b:s6+s16], $0x80, s28, s16, $0xb8;
	[tilespmem:$0x1F000] =	vst v63  }
0x35: {  	_ =	swait.ge [sflag:s19], $0x4000  }
0x36: {  	[sflag:s19] =	ssyncset.done $0x0  }
0x37: {  	s29 =	rddreg [dreg:$0x4];
	[sflag:s19] =	ssyncadd.s32 $0xFFFFC000  }
0x38: {  	[spmem:s2] =	stream.indirect.scatter.add.f32 [tilespmem:s17], [sflag:$0x3], $0x80, s29, s16, $0xb8;
	[tilespmem:$0x1F000] =	vst v63  }
0x39: {  	_ =	swait.ge [sflag:s14], $0x4000  }
0x3a: {  	[sflag:s14] =	ssyncset.done $0x0  }
0x3b: {  	s30 =	simm.s32 $0x200;
	[sflag:s14] =	ssyncadd.s32 $0xFFFFC000  }
0x3c: {  	[tilespmem:s17], [sflag:$0x1] =	stream.indirect.gather [hbm4b:s6+s16], $0x80, s30, s16, $0xb8;
	[tilespmem:$0x1F000] =	vst v63  }
0x3d: {  	_ =	swait.ge [sflag:s20], $0x4000  }
0x3e: {  	[sflag:s20] =	ssyncset.done $0x0  }
0x3f: {  	s31 =	rddreg [dreg:$0x5];
	[sflag:s20] =	ssyncadd.s32 $0xFFFFC000  }
0x40: {  	[spmem:s2] =	stream.indirect.scatter.add.f32 [tilespmem:s18], [sflag:$0x3], $0x80, s31, s16, $0xb8;
	[tilespmem:$0x1F000] =	vst v63  }
0x41: {  	_ =	swait.ge [sflag:s14], $0x4000  }
0x42: {  	[sflag:s14] =	ssyncset.done $0x0  }
0x43: {  	s23 =	simm.s32 $0x280;
	[sflag:s14] =	ssyncadd.s32 $0xFFFFC000  }
0x44: {  	[tilespmem:s18], [sflag:$0x2] =	stream.indirect.gather [hbm4b:s6+s16], $0x80, s23, s16, $0xb8;
	[tilespmem:$0x1F000] =	vst v63  }
0x45: {  	_ =	swait.ge [sflag:s19], $0x4000  }
0x46: {  	[sflag:s19] =	ssyncset.done $0x0  }
0x47: {  	s24 =	rddreg [dreg:$0x6];
	[sflag:s19] =	ssyncadd.s32 $0xFFFFC000  }
0x48: {  	[spmem:s2] =	stream.indirect.scatter.add.f32 [tilespmem:s17], [sflag:$0x3], $0x80, s24, s16, $0xb8;
	[tilespmem:$0x1F000] =	vst v63  }
0x49: {  	_ =	swait.ge [sflag:s14], $0x4000  }
0x4a: {  	[sflag:s14] =	ssyncset.done $0x0  }
0x4b: {  	s25 =	simm.s32 $0x300;
	[sflag:s14] =	ssyncadd.s32 $0xFFFFC000  }
0x4c: {  	[tilespmem:s17], [sflag:$0x1] =	stream.indirect.gather [hbm4b:s6+s16], $0x80, s25, s16, $0xb8;
	[tilespmem:$0x1F000] =	vst v63  }
0x4d: {  	_ =	swait.ge [sflag:s20], $0x4000  }
0x4e: {  	[sflag:s20] =	ssyncset.done $0x0  }
0x4f: {  	s26 =	rddreg [dreg:$0x7];
	[sflag:s20] =	ssyncadd.s32 $0xFFFFC000  }
0x50: {  	[spmem:s2] =	stream.indirect.scatter.add.f32 [tilespmem:s18], [sflag:$0x3], $0x80, s26, s16, $0xb8;
	[tilespmem:$0x1F000] =	vst v63  }
0x51: {  	_ =	swait.ge [sflag:s14], $0x4000  }
0x52: {  	[sflag:s14] =	ssyncset.done $0x0  }
0x53: {  	s28 =	simm.s32 $0x380;
	[sflag:s14] =	ssyncadd.s32 $0xFFFFC000  }
0x54: {  	[tilespmem:s18], [sflag:$0x2] =	stream.indirect.gather [hbm4b:s6+s16], $0x80, s28, s16, $0xb8;
	[tilespmem:$0x1F000] =	vst v63  }
0x55: {  	_ =	swait.ge [sflag:s19], $0x4000  }
0x56: {  	p0 =	por $0x1, $0x1;
	s23 =	simm.s32 $0x6;
	[sflag:s19] =	ssyncset.done $0x0  }
0x57: {  	s23 =	simm.s32 @!p0 $0x55;
	s29 =	rddreg [dreg:$0x8];
	[sflag:s19] =	ssyncadd.s32 $0xFFFFC000  }
0x58: {  	[spmem:s2] =	stream.indirect.scatter.add.f32 [tilespmem:s17], [sflag:$0x3], $0x80, s29, s16, $0xb8;
	[tilespmem:$0x1F000] =	vst v63  }
0x59: {  	s30 =	sshll.u32 s23, $0x7;
	_ =	swait.ge [sflag:s14], $0x4000  }
0x5a: {  	p0 =	por $0x1, $0x1;
	s22 =	sand.u32 $0x3FFFFF80, s30;
	[sflag:s14] =	ssyncset.done $0x0  }
0x5b: {  	s23 =	simm.s32 $0x6;
	s22 =	sadd.s32 $0x100, s22;
	[sflag:s14] =	ssyncadd.s32 $0xFFFFC000  }
0x5c: {  	[tilespmem:s17], [sflag:$0x1] =	stream.indirect.gather [hbm4b:s6+s16], $0x80, s22, s16, $0xb8;
	[tilespmem:$0x1F000] =	vst v63  }
0x5d: {  	s23 =	simm.s32 @!p0 $0x54;
	_ =	swait.ge [sflag:s20], $0x4000  }
0x5e: {  	p0 =	por $0x1, $0x1;
	s22 =	simm.s32 $0x1;
	[sflag:s20] =	ssyncset.done $0x0  }
0x5f: {  	s22 =	simm.s32 @!p0 $0xA;
	s31 =	rddreg [dreg:$0x9];
	[sflag:s20] =	ssyncadd.s32 $0xFFFFC000  }
0x60: {  	[spmem:s2] =	stream.indirect.scatter.add.f32 [tilespmem:s18], [sflag:$0x3], $0x80, s31, s16, $0xb8;
	[tilespmem:$0x1F000] =	vst v63  }
0x61: {  	s23 =	sshll.u32 s23, $0x7;
	s22 =	sshll.u32 s22, $0xA;
	_ =	swait.ge [sflag:s14], $0x4000  }
0x62: {  	s23 =	sand.u32 $0x3FFFFF80, s23;
	s22 =	sadd.s32 s3, s22;
	[sflag:s14] =	ssyncset.done $0x0  }
0x63: {  	s23 =	sadd.s32 $0x180, s23;
	s22 =	sshrl.u32 s22, $0x3;
	[sflag:s14] =	ssyncadd.s32 $0xFFFFC000  }
0x64: {  	[tilespmem:s18], [sflag:$0x2] =	stream.indirect.gather [hbm4b:s6+s16], $0x80, s23, s16, $0xb8;
	[tilespmem:$0x1F000] =	vst v63  }
0x65: {  	s22 =	sadd.s32 s5, s22  }
0x66: {  	[tilespmem:s15], [sflag:$0x3] =	stream.linear.gather [hbm4b:s22+s4], $0x400, $0x38;
	[tilespmem:$0x1F000] =	vst v63  }
0x67: {  	s24 =	simm.s32 $0x1;
	s23 =	simm.s32 $0x1000;
	s22 =	simm.s32 $0x6  }
.LBB2_2:
0x68: {  	_ =	swait.ge [sflag:s14], $0x400  }
0x69: {  	[sflag:s14] =	ssyncset.done $0x0  }
0x6a: {  	[sflag:s14] =	ssyncadd.s32 $0xFFFFFC00  }
0x6b: {  	_ =	swait.ge [sflag:s19], $0x4000  }
0x6c: {  	[sflag:s19] =	ssyncset.done $0x0  }
0x6d: {  	[sflag:s19] =	ssyncadd.s32 $0xFFFFC000  }
0x6e: {  	[spmem:s2] =	stream.indirect.scatter.add.f32 [tilespmem:s17], [sflag:$0x3], $0x80, s15, s16, $0xb8;
	[tilespmem:$0x1F000] =	vst v63  }
0x6f: {  	s25 =	smov.u32 s23;
	_ =	swait.ge [sflag:s14], $0x4000  }
0x70: {  	s25 =	sshra.s32 s25, $0x2;
	[sflag:s14] =	ssyncset.done $0x0  }
0x71: {  	s26 =	sadd.s32 $0x100, s25;
	[sflag:s14] =	ssyncadd.s32 $0xFFFFC000  }
0x72: {  	[tilespmem:s17], [sflag:$0x1] =	stream.indirect.gather [hbm4b:s6+s16], $0x80, s26, s16, $0xb8;
	[tilespmem:$0x1F000] =	vst v63  }
0x73: {  	_ =	swait.ge [sflag:s20], $0x4000  }
0x74: {  	[sflag:s20] =	ssyncset.done $0x0  }
0x75: {  	s30 =	rddreg [dreg:$0x3];
	[sflag:s20] =	ssyncadd.s32 $0xFFFFC000  }
0x76: {  	[spmem:s2] =	stream.indirect.scatter.add.f32 [tilespmem:s18], [sflag:$0x3], $0x80, s30, s16, $0xb8;
	[tilespmem:$0x1F000] =	vst v63  }
0x77: {  	_ =	swait.ge [sflag:s14], $0x4000  }
0x78: {  	[sflag:s14] =	ssyncset.done $0x0  }
0x79: {  	s31 =	sadd.s32 $0x180, s25;
	[sflag:s14] =	ssyncadd.s32 $0xFFFFC000  }
0x7a: {  	[tilespmem:s18], [sflag:$0x2] =	stream.indirect.gather [hbm4b:s6+s16], $0x80, s31, s16, $0xb8;
	[tilespmem:$0x1F000] =	vst v63  }
0x7b: {  	_ =	swait.ge [sflag:s19], $0x4000  }
0x7c: {  	[sflag:s19] =	ssyncset.done $0x0  }
0x7d: {  	s28 =	rddreg [dreg:$0x4];
	[sflag:s19] =	ssyncadd.s32 $0xFFFFC000  }
0x7e: {  	[spmem:s2] =	stream.indirect.scatter.add.f32 [tilespmem:s17], [sflag:$0x3], $0x80, s28, s16, $0xb8;
	[tilespmem:$0x1F000] =	vst v63  }
0x7f: {  	_ =	swait.ge [sflag:s14], $0x4000  }
0x80: {  	[sflag:s14] =	ssyncset.done $0x0  }
0x81: {  	s29 =	sadd.s32 $0x200, s25;
	[sflag:s14] =	ssyncadd.s32 $0xFFFFC000  }
0x82: {  	[tilespmem:s17], [sflag:$0x1] =	stream.indirect.gather [hbm4b:s6+s16], $0x80, s29, s16, $0xb8;
	[tilespmem:$0x1F000] =	vst v63  }
0x83: {  	_ =	swait.ge [sflag:s20], $0x4000  }
0x84: {  	[sflag:s20] =	ssyncset.done $0x0  }
0x85: {  	s30 =	rddreg [dreg:$0x5];
	[sflag:s20] =	ssyncadd.s32 $0xFFFFC000  }
0x86: {  	[spmem:s2] =	stream.indirect.scatter.add.f32 [tilespmem:s18], [sflag:$0x3], $0x80, s30, s16, $0xb8;
	[tilespmem:$0x1F000] =	vst v63  }
0x87: {  	_ =	swait.ge [sflag:s14], $0x4000  }
0x88: {  	[sflag:s14] =	ssyncset.done $0x0  }
0x89: {  	s31 =	sadd.s32 $0x280, s25;
	[sflag:s14] =	ssyncadd.s32 $0xFFFFC000  }
0x8a: {  	[tilespmem:s18], [sflag:$0x2] =	stream.indirect.gather [hbm4b:s6+s16], $0x80, s31, s16, $0xb8;
	[tilespmem:$0x1F000] =	vst v63  }
0x8b: {  	_ =	swait.ge [sflag:s19], $0x4000  }
0x8c: {  	[sflag:s19] =	ssyncset.done $0x0  }
0x8d: {  	s28 =	rddreg [dreg:$0x6];
	[sflag:s19] =	ssyncadd.s32 $0xFFFFC000  }
0x8e: {  	[spmem:s2] =	stream.indirect.scatter.add.f32 [tilespmem:s17], [sflag:$0x3], $0x80, s28, s16, $0xb8;
	[tilespmem:$0x1F000] =	vst v63  }
0x8f: {  	_ =	swait.ge [sflag:s14], $0x4000  }
0x90: {  	[sflag:s14] =	ssyncset.done $0x0  }
0x91: {  	s29 =	sadd.s32 $0x300, s25;
	[sflag:s14] =	ssyncadd.s32 $0xFFFFC000  }
0x92: {  	[tilespmem:s17], [sflag:$0x1] =	stream.indirect.gather [hbm4b:s6+s16], $0x80, s29, s16, $0xb8;
	[tilespmem:$0x1F000] =	vst v63  }
0x93: {  	_ =	swait.ge [sflag:s20], $0x4000  }
0x94: {  	[sflag:s20] =	ssyncset.done $0x0  }
0x95: {  	s30 =	rddreg [dreg:$0x7];
	[sflag:s20] =	ssyncadd.s32 $0xFFFFC000  }
0x96: {  	[spmem:s2] =	stream.indirect.scatter.add.f32 [tilespmem:s18], [sflag:$0x3], $0x80, s30, s16, $0xb8;
	[tilespmem:$0x1F000] =	vst v63  }
0x97: {  	_ =	swait.ge [sflag:s14], $0x4000  }
0x98: {  	[sflag:s14] =	ssyncset.done $0x0  }
0x99: {  	s22 =	sadd.s32 $0x8, s22;
	s25 =	sadd.s32 $0x380, s25;
	[sflag:s14] =	ssyncadd.s32 $0xFFFFC000  }
0x9a: {  	[tilespmem:s18], [sflag:$0x2] =	stream.indirect.gather [hbm4b:s6+s16], $0x80, s25, s16, $0xb8;
	[tilespmem:$0x1F000] =	vst v63  }
0x9b: {  	p1 =	slt.s32 s22, $0x55;
	s26 =	smov.u32 s22;
	_ =	swait.ge [sflag:s19], $0x4000  }
0x9c: {  	s24 =	sadd.s32 $0x1, s24;
	s26 =	simm.s32 @!p1 $0x55;
	[sflag:s19] =	ssyncset.done $0x0  }
0x9d: {  	p1 =	slt.s32 s22, $0x54;
	s31 =	rddreg [dreg:$0x8];
	[sflag:s19] =	ssyncadd.s32 $0xFFFFC000  }
0x9e: {  	[spmem:s2] =	stream.indirect.scatter.add.f32 [tilespmem:s17], [sflag:$0x3], $0x80, s31, s16, $0xb8;
	[tilespmem:$0x1F000] =	vst v63  }
0x9f: {  	s28 =	sshll.u32 s26, $0x7;
	s26 =	smov.u32 s22;
	_ =	swait.ge [sflag:s14], $0x4000  }
0xa0: {  	s26 =	simm.s32 @!p1 $0x54;
	s25 =	sand.u32 $0x3FFFFF80, s28;
	[sflag:s14] =	ssyncset.done $0x0  }
0xa1: {  	p1 =	slt.s32 s24, $0xA;
	s25 =	sadd.s32 $0x100, s25;
	[sflag:s14] =	ssyncadd.s32 $0xFFFFC000  }
0xa2: {  	[tilespmem:s17], [sflag:$0x1] =	stream.indirect.gather [hbm4b:s6+s16], $0x80, s25, s16, $0xb8;
	[tilespmem:$0x1F000] =	vst v63  }
0xa3: {  	s30 =	sshll.u32 s26, $0x7;
	s26 =	smov.u32 s24;
	_ =	swait.ge [sflag:s20], $0x4000  }
0xa4: {  	s26 =	simm.s32 @!p1 $0xA;
	[sflag:s20] =	ssyncset.done $0x0  }
0xa5: {  	s26 =	sshll.u32 s26, $0xA;
	s29 =	rddreg [dreg:$0x9];
	[sflag:s20] =	ssyncadd.s32 $0xFFFFC000  }
0xa6: {  	[spmem:s2] =	stream.indirect.scatter.add.f32 [tilespmem:s18], [sflag:$0x3], $0x80, s29, s16, $0xb8;
	[tilespmem:$0x1F000] =	vst v63  }
0xa7: {  	p0 =	sne.s32 s23, $0xA000;
	s26 =	sadd.s32 s3, s26;
	_ =	swait.ge [sflag:s14], $0x4000  }
.Ltmp0:
0xa8: {  	s25 =	sand.u32 $0x3FFFFF80, s30;
	[sflag:s14] =	ssyncset.done $0x0;
	(pc) =	sbr.rel @p0 .LBB2_2-.Ltmp0, $4  }
0xa9: {  	s31 =	sshrl.u32 s26, $0x3;
	s25 =	sadd.s32 $0x180, s25;
	[sflag:s14] =	ssyncadd.s32 $0xFFFFC000  }
0xaa: {  	[tilespmem:s18], [sflag:$0x2] =	stream.indirect.gather [hbm4b:s6+s16], $0x80, s25, s16, $0xb8;
	[tilespmem:$0x1F000] =	vst v63  }
0xab: {  	s23 =	sadd.s32 $0x1000, s23;
	s25 =	sadd.s32 s5, s31  }
0xac: {  	[tilespmem:s15], [sflag:$0x3] =	stream.linear.gather [hbm4b:s25+s4], $0x400, $0x38;
	[tilespmem:$0x1F000] =	vst v63  }
0xad: {  	_ =	swait.ge [sflag:s14], $0x400  }
0xae: {  	[sflag:s14] =	ssyncset.done $0x0  }
0xaf: {  	[sflag:s14] =	ssyncadd.s32 $0xFFFFFC00  }
0xb0: {  	_ =	swait.ge [sflag:s19], $0x4000  }
0xb1: {  	[sflag:s19] =	ssyncset.done $0x0  }
0xb2: {  	[sflag:s19] =	ssyncadd.s32 $0xFFFFC000  }
0xb3: {  	_ =	swait.ge [sflag:s20], $0x4000  }
0xb4: {  	s21 =	sadd.s32 $0x1, s21;
	[sflag:s20] =	ssyncset.done $0x0  }
0xb5: {  	p0 =	sne.s32 s21, s12;
	[sflag:s20] =	ssyncadd.s32 $0xFFFFC000  }
.Ltmp1:
0xb6: {  	[bflag:$0x0] =	sbarrier.arrive $0xFFFF;
	(pc) =	sbr.rel @p0 .LBB2_1-.Ltmp1, $4  }
0xb7: {  	[hbm:s11], [sflag:s8] =	dma.local [spmem:s13], $0x2800  }
0xb8: {  	_ =	swait.ge [sflag:s14], $0x2800  }
0xb9: {  	[sflag:s14] =	ssyncset.done $0x0  }
0xba: {  	[sflag:s14] =	ssyncadd.s32 $0xFFFFD800  }
0xbb: {  	_ =	sfence.sel $0x180000  }
0xbc: {  	[bflag:$0x0] =	sbarrier.arrive $0xFFFF  }
0xbd: {  	p0 =	sne.s32 s0, $0x0;
	_ =	strace $0x9000004A  }
0xbe: {  	s0 =	sadd.s32 @!p0 $0x100000, s1;
	[bflag:$0x2] =	sbarrier.arrive $0xFFFF  }
0xbf: {  	[sflag:s0] =	ssyncadd.tile.s32 @!p0 $0x1;
	_ =	shalt  }
.Lfunc_end2:
_tile_overlayer_lowered:
.L_overlay_start_2:
0xc0: {  	(tag) =	ssettag $0x2  }
0xc1: {  	s0 =	rddreg [dreg:$0x0];
	s2 =	stileid.u32  }
0xc2: {  	s1 =	rddreg [dreg:$0x1];
	p0 =	sne.s32 s2, $0x0  }
0xc3: {  	s3 =	rddreg [dreg:$0x2];
	[bflag:$0x3] =	sbarrier.arrive $0xFFFF;
	s2 =	simm.s32 @!p0 $0x1C03  }
0xc4: {  	[timem:s3], [sflag:s2] =	dma.local @!p0 [hbm:s0], s1  }
0xc5: {  	s0 =	simm.s32 @!p0 $0x3  }
0xc6: {  	_ =	swait.ge @!p0 [sflag:s0], s1  }
0xc7: {  	s1 =	ssub.s32 @!p0 $0x0, s1;
	[sflag:s0] =	ssyncset.done @!p0 $0x0  }
0xc8: {  	[sflag:s0] =	ssyncadd.s32 @!p0 s1  }
0xc9: {  	[bflag:$0x3] =	sbarrier.arrive $0xFFFF  }
0xca: {  	_ =	shalt  }

// kernel: kernel.14.cloned.1.call-start
scs
__scs_entry_jumppad:
0x0: {  	(pc) =	sbr.rel $0x88, $3  }
0x1: {  	(tag) =	ssettag $0x0;
	lr =	simm.s32 $0x1  }
0x2: {  	[smem:$0x3F9B] =	sst lr;
	_ =	strace $0xD0000000  }
0x3: {  	_ = 	snop  }
0x4: {  	_ = 	snop  }
0x5: {  	_ = 	snop  }
0x6: {  	_ = 	snop  }
0x7: {  	_ = 	snop  }
__scs_overlays_trampoline_lowered:
0x8: {  	[smem:$0x3FAA] =	sst s0  }
0x9: {  	[smem:$0x3FAB] =	sst s1  }
0xa: {  	[smem:$0x3FAC] =	sst s2  }
0xb: {  	[smem:$0x3FAD] =	sst s3  }
0xc: {  	[smem:$0x3FAE] =	sst s4  }
0xd: {  	[smem:$0x3FAF] =	sst s5  }
0xe: {  	[smem:$0x3FB0] =	sst s6  }
0xf: {  	[smem:$0x3FB1] =	sst s7  }
0x10: {  	[smem:$0x3FB2] =	sst s8  }
0x11: {  	[smem:$0x3FB3] =	sst s9;
	s0 =	simm.s32 @!p0 $0x0  }
0x12: {  	s1 =	sld [smem:$0x3F99];
	s0 =	simm.s32 @p0 $0x1  }
0x13: {  	[smem:$0x3FB4] =	sst s0;
	s0 =	simm.s32 @!p1 $0x0  }
0x14: {  	s2 =	sld [smem:$0x3F98];
	s0 =	simm.s32 @p1 $0x1  }
0x15: {  	[smem:$0x3FB5] =	sst s0;
	s0 =	simm.s32 @!p2 $0x0  }
0x16: {  	s3 =	sld [smem:$0x3FDB];
	s0 =	simm.s32 @p2 $0x1  }
0x17: {  	s4 =	simm.s32 $0x1BF5;
	[smem:$0x3FB7] =	sst s0  }
0x18: {  	s0 =	sld [smem:$0x3F9A];
	_ =	swait.ge [sflag:s4], $0x0  }
0x19: {  	s7 =	sld [smem:$0x3F9B]  }
0x1a: {  	s8 =	sadd.s32 $0xFFFFE003, lr  }
0x1b: {  	s9 =	sadd.s32 $0xFFFFFEF7, lr;
	s5 =	simm.s32 $0xFFFFFFFF;
	p2 =	slt.u32 s8, $0xFFFFF086  }
0x1c: {  	p1 =	slt.u32 s9, $0xF7A;
	s5 =	simm.s32 @!p2 $0x0  }
0x1d: {  	s5 =	simm.s32 @p1 $0x1;
	p0 =	seq.s32 s7, s2  }
0x1e: {  	s7 =	smul.u32 @!p0 $0xF7A, s2;
	p2 =	seq.s32 @!p0 s5, $0x0  }
0x1f: {  	s9 =	smul.u32 $0xF7A, s1;
	s8 =	simm.s32 @!p0 $0x1BF5;
	p2 =	por !p2, p0  }
0x20: {  	[sflag:s8] =	ssyncset.s32 @!p0 $0xFFFFF086;
	s6 =	sadd.s32 @!p0 s3, s7;
	s7 =	simm.s32 @!p0 $0x108  }
0x21: {  	s3 =	sadd.s32 s3, s9;
	s6 =	sadd.s32 @!p0 $0x88, s6;
	s7 =	simm.s32 @p2 $0x1082  }
0x22: {  	[simem:s7], [sflag:s8] =	dma.local @!p0 [hbm:s6], $0xF7A  }
0x23: {  	s9 =	sor.u32 $0xD0000000, s2;
	s6 =	simm.s32 $0x108;
	_ =	swait.ge @!p0 [sflag:s8], $0x0  }
0x24: {  	s3 =	sadd.s32 $0x88, s3;
	s6 =	simm.s32 @!p1 $0x1082;
	[sflag:s4] =	ssyncset.s32 $0xFFFFF086  }
0x25: {  	[simem:s6], [sflag:s4] =	dma.local [hbm:s3], $0xF7A  }
0x26: {  	[smem:$0x3F9B] =	sst s1;
	(tag) =	ssettag s2;
	_ =	strace s9  }
0x27: {  	s1 =	sld [smem:$0x3FAB]  }
0x28: {  	s2 =	sld [smem:$0x3FAC]  }
0x29: {  	s4 =	sld [smem:$0x3FAE]  }
0x2a: {  	p0 =	seq.s32 s5, $0x0;
	s5 =	sld [smem:$0x3FAF]  }
0x2b: {  	s6 =	sld [smem:$0x3FB0]  }
0x2c: {  	s7 =	sld [smem:$0x3FB1]  }
0x2d: {  	s3 =	simm.s32 $0x108;
	s8 =	sld [smem:$0x3FB2]  }
0x2e: {  	s3 =	simm.s32 @!p0 $0x1082;
	s9 =	sld [smem:$0x3FB3]  }
0x2f: {  	lr =	sadd.s32 s0, s3;
	s0 =	sld [smem:$0x3FAA]  }
0x30: {  	s3 =	sld [smem:$0x3FAD]  }
0x31: {  	[smem:$0x3FB6] =	sst s10  }
0x32: {  	s10 =	sld [smem:$0x3FB4];
	_ =	sdelay $0x3  }
0x33: {  	p0 =	seq.s32 s10, $0x1;
	s10 =	sld [smem:$0x3FB6];
	_ =	sdelay $0x3  }
0x34: {  	[smem:$0x3FB6] =	sst s10  }
0x35: {  	s10 =	sld [smem:$0x3FB5];
	_ =	sdelay $0x3  }
0x36: {  	p1 =	seq.s32 s10, $0x1;
	s10 =	sld [smem:$0x3FB6];
	_ =	sdelay $0x3  }
0x37: {  	[smem:$0x3FB6] =	sst s10  }
0x38: {  	s10 =	sld [smem:$0x3FB7]  }
0x39: {  	_ = 	snop;
	(pc) =	sbr.ind lr, $3  }
0x3a: {  	_ = 	snop  }
0x3b: {  	_ = 	snop  }
0x3c: {  	p2 =	seq.s32 s10, $0x1;
	s10 =	sld [smem:$0x3FB6]  }
0x3d: {  	_ =	shalt  }
0x3e: {  	_ =	shalt  }
0x3f: {  	_ =	shalt  }
0x40: {  	_ =	shalt  }
0x41: {  	_ =	shalt  }
0x42: {  	_ =	shalt  }
0x43: {  	_ =	shalt  }
0x44: {  	_ =	shalt  }
0x45: {  	_ =	shalt  }
0x46: {  	_ =	shalt  }
0x47: {  	_ =	shalt  }
0x48: {  	_ =	shalt  }
0x49: {  	_ =	shalt  }
0x4a: {  	_ =	shalt  }
0x4b: {  	_ =	shalt  }
0x4c: {  	_ =	shalt  }
0x4d: {  	_ =	shalt  }
0x4e: {  	_ =	shalt  }
0x4f: {  	_ =	shalt  }
0x50: {  	_ =	shalt  }
0x51: {  	_ =	shalt  }
0x52: {  	_ =	shalt  }
0x53: {  	_ =	shalt  }
0x54: {  	_ =	shalt  }
0x55: {  	_ =	shalt  }
0x56: {  	_ =	shalt  }
0x57: {  	_ =	shalt  }
0x58: {  	_ =	shalt  }
0x59: {  	_ =	shalt  }
0x5a: {  	_ =	shalt  }
0x5b: {  	_ =	shalt  }
0x5c: {  	_ =	shalt  }
0x5d: {  	_ =	shalt  }
0x5e: {  	_ =	shalt  }
0x5f: {  	_ =	shalt  }
0x60: {  	_ =	shalt  }
0x61: {  	_ =	shalt  }
0x62: {  	_ =	shalt  }
0x63: {  	_ =	shalt  }
0x64: {  	_ =	shalt  }
0x65: {  	_ =	shalt  }
0x66: {  	_ =	shalt  }
0x67: {  	_ =	shalt  }
0x68: {  	_ =	shalt  }
0x69: {  	_ =	shalt  }
0x6a: {  	_ =	shalt  }
0x6b: {  	_ =	shalt  }
0x6c: {  	_ =	shalt  }
0x6d: {  	_ =	shalt  }
0x6e: {  	_ =	shalt  }
0x6f: {  	_ =	shalt  }
0x70: {  	_ =	shalt  }
0x71: {  	_ =	shalt  }
0x72: {  	_ =	shalt  }
0x73: {  	_ =	shalt  }
0x74: {  	_ =	shalt  }
0x75: {  	_ =	shalt  }
0x76: {  	_ =	shalt  }
0x77: {  	_ =	shalt  }
0x78: {  	_ =	shalt  }
0x79: {  	_ =	shalt  }
0x7a: {  	_ =	shalt  }
0x7b: {  	_ =	shalt  }
0x7c: {  	_ =	shalt  }
0x7d: {  	_ =	shalt  }
0x7e: {  	_ =	shalt  }
0x7f: {  	_ =	shalt  }
0x80: {  	_ =	shalt  }
0x81: {  	_ =	shalt  }
0x82: {  	_ =	shalt  }
0x83: {  	_ =	shalt  }
0x84: {  	_ =	shalt  }
0x85: {  	_ =	shalt  }
0x86: {  	_ =	shalt  }
0x87: {  	_ =	shalt  }
.Lfunc_end0:
.L_simem_size_0:
called_computation.2_lowered:
.L_overlay_start_0:
0x88: {  	s2 =	sld [smem:$0x3FD9]  }
0x89: {  	s3 =	sld [smem:$0x3FFE];
	_ =	sdelay $0x1  }
0x8a: {  	s1 =	srdreg.scid  }
0x8b: {  	s0 =	sand.u32 $0x1, s1  }
0x8c: {  	s16 =	sshll.u32 s0, $0xA;
	s2 =	sadd.s32 s3, s2  }
0x8d: {  	s2 =	sadd.s32 s2, s16  }
0x8e: {  	[smem:$0x3FC2] =	sst s2  }
0x8f: {  	_ = 	snop  }
0x90: {  	(tm) =	ssettm $0x1  }
0x91: {  	s17 =	sld [smem:$0x3FFB];
	_ =	sdelay $0x3  }
0x92: {  	_ =	strace s17  }
0x93: {  	s2 =	sld [smem:$0x3FFC];
	_ =	sdelay $0x3  }
0x94: {  	_ =	strace s2  }
0x95: {  	s2 =	sld [smem:$0x3FFD];
	_ =	sdelay $0x3  }
0x96: {  	_ =	strace s2  }
0x97: {  	_ =	strace $0x8FFFFFFF  }
0x98: {  	s18 =	sld [smem:$0x3FDB];
	_ =	sdelay $0x1  }
0x99: {  	s19 =	simm.s32 $_scs_section_size  }
0x9a: {  	s4 =	simm.s32 $_size__tile_overlayer_lowered;
	s5 =	simm.s32 $_tile_overlayer_lowered  }
0x9b: {  	s22 =	simm.s32 $0x1BFF;
	s21 =	sshll.u32 s5, $0x1;
	s2 =	sadd.s32 s19, s18  }
0x9c: {  	s6 =	simm.s32 $0x0;
	s20 =	sshll.u32 s4, $0x1;
	s4 =	sadd.s32 s21, s2  }
0x9d: {  	[timem:s6], [sflag:s22] =	dma.local [hbm:s4], s20  }
0x9e: {  	_ =	swait.ge [sflag:s22], s20  }
0x9f: {  	s3 =	ssub.s32 $0x0, s20;
	[sflag:s22] =	ssyncset.done $0x0  }
0xa0: {  	[sflag:s22] =	ssyncadd.s32 s3;
	_ =	sdelay $0x1  }
0xa1: {  	s23 =	simm.s32 $0x1B8B  }
0xa2: {  	_ =	swait.ge [sflag:s23], $0x1  }
0xa3: {  	[sflag:s23] =	ssyncset.done $0x0  }
0xa4: {  	s25 =	simm.s32 $0x1B8E;
	s24 =	sld [smem:$0x3FFE];
	[sflag:s23] =	ssyncadd.s32 $0xFFFFFFFF  }
0xa5: {  	s26 =	simm.s32 $execute0_lowered;
	[smem:$0x3FD2] =	sst s25  }
0xa6: {  	s4 =	sshll.u32 s26, $0x1;
	_ =	strace $0x8000004C;
	[dreg:$0x1] =	wrdreg $0xFFFFFFFF  }
0xa7: {  	s28 =	simm.s32 $_size_execute0_lowered;
	s2 =	sadd.s32 s2, s4;
	[dreg:$0x0] =	wrdreg $0x0  }
0xa8: {  	s4 =	sshll.u32 s28, $0x1;
	[dreg:$0x2] =	wrdreg s2  }
0xa9: {  	[dreg:$0x3] =	wrdreg s4  }
0xaa: {  	[dreg:$0x4] =	wrdreg $0xC0  }
0xab: {  	_ =	task [dreg:s6], $0x5FFFF  }
0xac: {  	[dreg:$0x1] =	wrdreg $0xFFFFFFFF  }
0xad: {  	[dreg:$0x0] =	wrdreg $0x60  }
0xae: {  	[dreg:$0x2] =	wrdreg s24  }
0xaf: {  	[dreg:$0x3] =	wrdreg $0xB0000  }
0xb0: {  	[dreg:$0x4] =	wrdreg $0x9  }
0xb1: {  	_ =	task.clear_ibuf [dreg:s6], $0x5FFFF;
	_ =	strace $0x9000004C  }
0xb2: {  	s29 =	simm.s32 $0x9;
	_ =	strace $0x8000004E  }
0xb3: {  	_ =	swait.ge [sflag:s29], $0x1  }
0xb4: {  	[sflag:s29] =	ssyncadd.s32 $0xFFFFFFFF  }
0xb5: {  	_ =	strace $0x9000004E  }
0xb6: {  	_ =	sfence  }
0xb7: {  	s30 =	sld [smem:$0x0];
	_ =	sdelay $0x2  }
0xb8: {  	s31 =	sshll.u32 s1, $0xD;
	s1 =	sshrl.u32 s1, $0x2  }
0xb9: {  	s3 =	sand.u32 $0x4000, s31;
	s1 =	sadd.s32 s1, s30  }
0xba: {  	s0 =	sor.u32 s3, s0;
	s1 =	sshll.u32 s1, $0x11  }
0xbb: {  	s0 =	sor.u32 s1, s0  }
0xbc: {  	s0 =	sadd.s32 $0x8F2B, s0  }
0xbd: {  	[sflag:s0] =	ssyncadd.remote.s32 $0x1  }
0xbe: {  	_ =	sfence.sel $0xFFFF  }
0xbf: {  	[dreg:$0x0] =	wrdreg $0xFFFFFFFF;
	(pc) =	sbr.abs _section_cstart, $3  }
0xc0: {  	[dreg:$0x1] =	wrdreg $0xFFFFFFFF  }
0xc1: {  	_ =	task.clear_ibuf [dreg:s6], $0x2FFFF;
	_ =	strace $0x9FFFFFFF  }
0xc2: {  	(tm) =	ssettm $0x7FFFFFFF  }
0xc3: {  	_ =	shalt  }
tec
execute0_lowered:
.L_overlay_start_1:
0x0: {  	(tag) =	ssettag $0x1  }
0x1: {  	s1 =	srdreg.scid  }
0x2: {  	s0 =	stileid.u32;
	s9 =	rddreg [dreg:$0x0]  }
0x3: {  	s2 =	rddreg [dreg:$0x1];
	s4 =	simm.s32 $0x0;
	s31 =	simm.s32 $0x2C80  }
0x4: {  	s16 =	simm.s32 $0x2D00;
	s17 =	simm.s32 $0x2D80;
	s18 =	simm.s32 $0x2E00  }
0x5: {  	s19 =	simm.s32 $0x2E80;
	s8 =	sand.u32 $0x1, s1;
	s29 =	sshll.u32 s0, $0x1  }
0x6: {  	s20 =	simm.s32 $0x2F00;
	[smem:$0x7FF] =	sst s4;
	s1 =	sor.u32 s8, s29  }
0x7: {  	s21 =	simm.s32 $0x2F80;
	s3 =	smul.u32 $0x2C00, s1;
	s1 =	rddreg [dreg:$0x2]  }
0x8: {  	s7 =	smul.u32 $0x14000, s0;
	_ =	strace $0x8000004D;
	[dreg:$0x3] =	wrdreg s31  }
0x9: {  	s5 =	sadd.s32 $0x1C00, s9;
	s13 =	smul.u32 $0x50000, s0;
	[dreg:$0x4] =	wrdreg s16  }
0xa: {  	s6 =	smul.u32 $0x140000, s8;
	s8 =	ssub.s32 $0x2, s8;
	[dreg:$0x5] =	wrdreg s17  }
0xb: {  	s14 =	sshll.u32 s0, $0x6;
	s30 =	sshrl.u32 s8, $0x1;
	[dreg:$0x6] =	wrdreg s18  }
0xc: {  	s13 =	sshrl.u32 s13, $0x2;
	s16 =	simm.s32 $0x80;
	[dreg:$0x7] =	wrdreg s19  }
0xd: {  	s17 =	simm.s32 $0x3000;
	s18 =	simm.s32 $0x7000;
	[dreg:$0x8] =	wrdreg s20  }
0xe: {  	s19 =	simm.s32 $0x1;
	s20 =	simm.s32 $0x2;
	[dreg:$0x9] =	wrdreg s21  }
0xf: {  	s21 =	simm.s32 $0x0;
	s7 =	sadd.s32 s7, s6;
	s6 =	sadd.s32 $0xFC00, s9  }
0x10: {  	s15 =	ssub.s32 s8, s30;
	s13 =	sadd.s32 s13, s2;
	s8 =	sor.u32 $0x1C03, s14  }
0x11: {  	s14 =	simm.s32 $0x3;
	s10 =	sshrl.u32 s3, $0x3;
	s12 =	sshrl.u32 s7, $0x3  }
0x12: {  	s7 =	sadd.s32 $0xD400, s9;
	s13 =	sshrl.u32 s13, $0x3;
	s11 =	sadd.s32 s10, s9  }
0x13: {  	s12 =	sadd.s32 s12, s9;
	s10 =	sadd.s32 s5, s10;
	s9 =	sadd.s32 $0x5FC00, s11  }
0x14: {  	s11 =	sadd.s32 $0x6AC00, s12;
	s12 =	smax.u32 s15, $0x1;
	s15 =	simm.s32 $0x2C00  }
.LBB2_1:
0x15: {  	[spmem:s13], [sflag:s8] =	dma.local [hbm:s7], $0x2800  }
0x16: {  	_ =	swait.ge [sflag:s14], $0x2800  }
0x17: {  	[sflag:s14] =	ssyncset.done $0x0  }
0x18: {  	[sflag:s14] =	ssyncadd.s32 $0xFFFFD800  }
0x19: {  	[tilespmem:s4], [sflag:$0x3] =	stream.linear.gather [hbm4b:s9+s4], $0x2C00, $0x38;
	[tilespmem:$0x1F000] =	vst v63  }
0x1a: {  	_ =	swait.ge [sflag:s14], $0x2C00  }
0x1b: {  	[sflag:s14] =	ssyncset.done $0x0  }
0x1c: {  	[sflag:s14] =	ssyncadd.s32 $0xFFFFD400  }
0x1d: {  	[tilespmem:s15], [sflag:$0x3] =	stream.linear.gather [hbm4b:s10+s4], $0x400, $0x38;
	[tilespmem:$0x1F000] =	vst v63  }
0x1e: {  	_ =	swait.ge [sflag:s14], $0x400  }
0x1f: {  	[sflag:s14] =	ssyncset.done $0x0  }
0x20: {  	[sflag:s14] =	ssyncadd.s32 $0xFFFFFC00  }
0x21: {  	[bflag:$0x0] =	sbarrier.arrive $0xFFFF  }
0x22: {  	[tilespmem:s17], [sflag:$0x1] =	stream.indirect.gather [hbm4b:s6+s16], $0x80, s4, s16, $0xb8;
	[tilespmem:$0x1F000] =	vst v63  }
0x23: {  	_ = 	snop  }
0x24: {  	[tilespmem:s18], [sflag:$0x2] =	stream.indirect.gather [hbm4b:s6+s16], $0x80, s16, s16, $0xb8;
	[tilespmem:$0x1F000] =	vst v63  }
0x25: {  	_ =	swait.ge [sflag:s19], $0x4000  }
0x26: {  	[sflag:s19] =	ssyncset.done $0x0  }
0x27: {  	[sflag:s19] =	ssyncadd.s32 $0xFFFFC000  }
0x28: {  	[spmem:s2] =	stream.indirect.scatter.add.f32 [tilespmem:s17], [sflag:$0x3], $0x80, s15, s16, $0xb8;
	[tilespmem:$0x1F000] =	vst v63  }
0x29: {  	_ =	swait.ge [sflag:s14], $0x4000  }
0x2a: {  	[sflag:s14] =	ssyncset.done $0x0  }
0x2b: {  	s22 =	simm.s32 $0x100;
	[sflag:s14] =	ssyncadd.s32 $0xFFFFC000  }
0x2c: {  	[tilespmem:s17], [sflag:$0x1] =	stream.indirect.gather [hbm4b:s6+s16], $0x80, s22, s16, $0xb8;
	[tilespmem:$0x1F000] =	vst v63  }
0x2d: {  	_ =	swait.ge [sflag:s20], $0x4000  }
0x2e: {  	[sflag:s20] =	ssyncset.done $0x0  }
0x2f: {  	s26 =	rddreg [dreg:$0x3];
	[sflag:s20] =	ssyncadd.s32 $0xFFFFC000  }
0x30: {  	[spmem:s2] =	stream.indirect.scatter.add.f32 [tilespmem:s18], [sflag:$0x3], $0x80, s26, s16, $0xb8;
	[tilespmem:$0x1F000] =	vst v63  }
0x31: {  	_ =	swait.ge [sflag:s14], $0x4000  }
0x32: {  	[sflag:s14] =	ssyncset.done $0x0  }
0x33: {  	s28 =	simm.s32 $0x180;
	[sflag:s14] =	ssyncadd.s32 $0xFFFFC000  }
0x34: {  	[tilespmem:s18], [sflag:$0x2] =	stream.indirect.gather [hbm4b:s6+s16], $0x80, s28, s16, $0xb8;
	[tilespmem:$0x1F000] =	vst v63  }
0x35: {  	_ =	swait.ge [sflag:s19], $0x4000  }
0x36: {  	[sflag:s19] =	ssyncset.done $0x0  }
0x37: {  	s29 =	rddreg [dreg:$0x4];
	[sflag:s19] =	ssyncadd.s32 $0xFFFFC000  }
0x38: {  	[spmem:s2] =	stream.indirect.scatter.add.f32 [tilespmem:s17], [sflag:$0x3], $0x80, s29, s16, $0xb8;
	[tilespmem:$0x1F000] =	vst v63  }
0x39: {  	_ =	swait.ge [sflag:s14], $0x4000  }
0x3a: {  	[sflag:s14] =	ssyncset.done $0x0  }
0x3b: {  	s30 =	simm.s32 $0x200;
	[sflag:s14] =	ssyncadd.s32 $0xFFFFC000  }
0x3c: {  	[tilespmem:s17], [sflag:$0x1] =	stream.indirect.gather [hbm4b:s6+s16], $0x80, s30, s16, $0xb8;
	[tilespmem:$0x1F000] =	vst v63  }
0x3d: {  	_ =	swait.ge [sflag:s20], $0x4000  }
0x3e: {  	[sflag:s20] =	ssyncset.done $0x0  }
0x3f: {  	s31 =	rddreg [dreg:$0x5];
	[sflag:s20] =	ssyncadd.s32 $0xFFFFC000  }
0x40: {  	[spmem:s2] =	stream.indirect.scatter.add.f32 [tilespmem:s18], [sflag:$0x3], $0x80, s31, s16, $0xb8;
	[tilespmem:$0x1F000] =	vst v63  }
0x41: {  	_ =	swait.ge [sflag:s14], $0x4000  }
0x42: {  	[sflag:s14] =	ssyncset.done $0x0  }
0x43: {  	s23 =	simm.s32 $0x280;
	[sflag:s14] =	ssyncadd.s32 $0xFFFFC000  }
0x44: {  	[tilespmem:s18], [sflag:$0x2] =	stream.indirect.gather [hbm4b:s6+s16], $0x80, s23, s16, $0xb8;
	[tilespmem:$0x1F000] =	vst v63  }
0x45: {  	_ =	swait.ge [sflag:s19], $0x4000  }
0x46: {  	[sflag:s19] =	ssyncset.done $0x0  }
0x47: {  	s24 =	rddreg [dreg:$0x6];
	[sflag:s19] =	ssyncadd.s32 $0xFFFFC000  }
0x48: {  	[spmem:s2] =	stream.indirect.scatter.add.f32 [tilespmem:s17], [sflag:$0x3], $0x80, s24, s16, $0xb8;
	[tilespmem:$0x1F000] =	vst v63  }
0x49: {  	_ =	swait.ge [sflag:s14], $0x4000  }
0x4a: {  	[sflag:s14] =	ssyncset.done $0x0  }
0x4b: {  	s25 =	simm.s32 $0x300;
	[sflag:s14] =	ssyncadd.s32 $0xFFFFC000  }
0x4c: {  	[tilespmem:s17], [sflag:$0x1] =	stream.indirect.gather [hbm4b:s6+s16], $0x80, s25, s16, $0xb8;
	[tilespmem:$0x1F000] =	vst v63  }
0x4d: {  	_ =	swait.ge [sflag:s20], $0x4000  }
0x4e: {  	[sflag:s20] =	ssyncset.done $0x0  }
0x4f: {  	s26 =	rddreg [dreg:$0x7];
	[sflag:s20] =	ssyncadd.s32 $0xFFFFC000  }
0x50: {  	[spmem:s2] =	stream.indirect.scatter.add.f32 [tilespmem:s18], [sflag:$0x3], $0x80, s26, s16, $0xb8;
	[tilespmem:$0x1F000] =	vst v63  }
0x51: {  	_ =	swait.ge [sflag:s14], $0x4000  }
0x52: {  	[sflag:s14] =	ssyncset.done $0x0  }
0x53: {  	s28 =	simm.s32 $0x380;
	[sflag:s14] =	ssyncadd.s32 $0xFFFFC000  }
0x54: {  	[tilespmem:s18], [sflag:$0x2] =	stream.indirect.gather [hbm4b:s6+s16], $0x80, s28, s16, $0xb8;
	[tilespmem:$0x1F000] =	vst v63  }
0x55: {  	_ =	swait.ge [sflag:s19], $0x4000  }
0x56: {  	p0 =	por $0x1, $0x1;
	s23 =	simm.s32 $0x6;
	[sflag:s19] =	ssyncset.done $0x0  }
0x57: {  	s23 =	simm.s32 @!p0 $0x55;
	s29 =	rddreg [dreg:$0x8];
	[sflag:s19] =	ssyncadd.s32 $0xFFFFC000  }
0x58: {  	[spmem:s2] =	stream.indirect.scatter.add.f32 [tilespmem:s17], [sflag:$0x3], $0x80, s29, s16, $0xb8;
	[tilespmem:$0x1F000] =	vst v63  }
0x59: {  	s30 =	sshll.u32 s23, $0x7;
	_ =	swait.ge [sflag:s14], $0x4000  }
0x5a: {  	p0 =	por $0x1, $0x1;
	s22 =	sand.u32 $0x3FFFFF80, s30;
	[sflag:s14] =	ssyncset.done $0x0  }
0x5b: {  	s23 =	simm.s32 $0x6;
	s22 =	sadd.s32 $0x100, s22;
	[sflag:s14] =	ssyncadd.s32 $0xFFFFC000  }
0x5c: {  	[tilespmem:s17], [sflag:$0x1] =	stream.indirect.gather [hbm4b:s6+s16], $0x80, s22, s16, $0xb8;
	[tilespmem:$0x1F000] =	vst v63  }
0x5d: {  	s23 =	simm.s32 @!p0 $0x54;
	_ =	swait.ge [sflag:s20], $0x4000  }
0x5e: {  	p0 =	por $0x1, $0x1;
	s22 =	simm.s32 $0x1;
	[sflag:s20] =	ssyncset.done $0x0  }
0x5f: {  	s22 =	simm.s32 @!p0 $0xA;
	s31 =	rddreg [dreg:$0x9];
	[sflag:s20] =	ssyncadd.s32 $0xFFFFC000  }
0x60: {  	[spmem:s2] =	stream.indirect.scatter.add.f32 [tilespmem:s18], [sflag:$0x3], $0x80, s31, s16, $0xb8;
	[tilespmem:$0x1F000] =	vst v63  }
0x61: {  	s23 =	sshll.u32 s23, $0x7;
	s22 =	sshll.u32 s22, $0xA;
	_ =	swait.ge [sflag:s14], $0x4000  }
0x62: {  	s23 =	sand.u32 $0x3FFFFF80, s23;
	s22 =	sadd.s32 s3, s22;
	[sflag:s14] =	ssyncset.done $0x0  }
0x63: {  	s23 =	sadd.s32 $0x180, s23;
	s22 =	sshrl.u32 s22, $0x3;
	[sflag:s14] =	ssyncadd.s32 $0xFFFFC000  }
0x64: {  	[tilespmem:s18], [sflag:$0x2] =	stream.indirect.gather [hbm4b:s6+s16], $0x80, s23, s16, $0xb8;
	[tilespmem:$0x1F000] =	vst v63  }
0x65: {  	s22 =	sadd.s32 s5, s22  }
0x66: {  	[tilespmem:s15], [sflag:$0x3] =	stream.linear.gather [hbm4b:s22+s4], $0x400, $0x38;
	[tilespmem:$0x1F000] =	vst v63  }
0x67: {  	s24 =	simm.s32 $0x1;
	s23 =	simm.s32 $0x1000;
	s22 =	simm.s32 $0x6  }
.LBB2_2:
0x68: {  	_ =	swait.ge [sflag:s14], $0x400  }
0x69: {  	[sflag:s14] =	ssyncset.done $0x0  }
0x6a: {  	[sflag:s14] =	ssyncadd.s32 $0xFFFFFC00  }
0x6b: {  	_ =	swait.ge [sflag:s19], $0x4000  }
0x6c: {  	[sflag:s19] =	ssyncset.done $0x0  }
0x6d: {  	[sflag:s19] =	ssyncadd.s32 $0xFFFFC000  }
0x6e: {  	[spmem:s2] =	stream.indirect.scatter.add.f32 [tilespmem:s17], [sflag:$0x3], $0x80, s15, s16, $0xb8;
	[tilespmem:$0x1F000] =	vst v63  }
0x6f: {  	s25 =	smov.u32 s23;
	_ =	swait.ge [sflag:s14], $0x4000  }
0x70: {  	s25 =	sshra.s32 s25, $0x2;
	[sflag:s14] =	ssyncset.done $0x0  }
0x71: {  	s26 =	sadd.s32 $0x100, s25;
	[sflag:s14] =	ssyncadd.s32 $0xFFFFC000  }
0x72: {  	[tilespmem:s17], [sflag:$0x1] =	stream.indirect.gather [hbm4b:s6+s16], $0x80, s26, s16, $0xb8;
	[tilespmem:$0x1F000] =	vst v63  }
0x73: {  	_ =	swait.ge [sflag:s20], $0x4000  }
0x74: {  	[sflag:s20] =	ssyncset.done $0x0  }
0x75: {  	s30 =	rddreg [dreg:$0x3];
	[sflag:s20] =	ssyncadd.s32 $0xFFFFC000  }
0x76: {  	[spmem:s2] =	stream.indirect.scatter.add.f32 [tilespmem:s18], [sflag:$0x3], $0x80, s30, s16, $0xb8;
	[tilespmem:$0x1F000] =	vst v63  }
0x77: {  	_ =	swait.ge [sflag:s14], $0x4000  }
0x78: {  	[sflag:s14] =	ssyncset.done $0x0  }
0x79: {  	s31 =	sadd.s32 $0x180, s25;
	[sflag:s14] =	ssyncadd.s32 $0xFFFFC000  }
0x7a: {  	[tilespmem:s18], [sflag:$0x2] =	stream.indirect.gather [hbm4b:s6+s16], $0x80, s31, s16, $0xb8;
	[tilespmem:$0x1F000] =	vst v63  }
0x7b: {  	_ =	swait.ge [sflag:s19], $0x4000  }
0x7c: {  	[sflag:s19] =	ssyncset.done $0x0  }
0x7d: {  	s28 =	rddreg [dreg:$0x4];
	[sflag:s19] =	ssyncadd.s32 $0xFFFFC000  }
0x7e: {  	[spmem:s2] =	stream.indirect.scatter.add.f32 [tilespmem:s17], [sflag:$0x3], $0x80, s28, s16, $0xb8;
	[tilespmem:$0x1F000] =	vst v63  }
0x7f: {  	_ =	swait.ge [sflag:s14], $0x4000  }
0x80: {  	[sflag:s14] =	ssyncset.done $0x0  }
0x81: {  	s29 =	sadd.s32 $0x200, s25;
	[sflag:s14] =	ssyncadd.s32 $0xFFFFC000  }
0x82: {  	[tilespmem:s17], [sflag:$0x1] =	stream.indirect.gather [hbm4b:s6+s16], $0x80, s29, s16, $0xb8;
	[tilespmem:$0x1F000] =	vst v63  }
0x83: {  	_ =	swait.ge [sflag:s20], $0x4000  }
0x84: {  	[sflag:s20] =	ssyncset.done $0x0  }
0x85: {  	s30 =	rddreg [dreg:$0x5];
	[sflag:s20] =	ssyncadd.s32 $0xFFFFC000  }
0x86: {  	[spmem:s2] =	stream.indirect.scatter.add.f32 [tilespmem:s18], [sflag:$0x3], $0x80, s30, s16, $0xb8;
	[tilespmem:$0x1F000] =	vst v63  }
0x87: {  	_ =	swait.ge [sflag:s14], $0x4000  }
0x88: {  	[sflag:s14] =	ssyncset.done $0x0  }
0x89: {  	s31 =	sadd.s32 $0x280, s25;
	[sflag:s14] =	ssyncadd.s32 $0xFFFFC000  }
0x8a: {  	[tilespmem:s18], [sflag:$0x2] =	stream.indirect.gather [hbm4b:s6+s16], $0x80, s31, s16, $0xb8;
	[tilespmem:$0x1F000] =	vst v63  }
0x8b: {  	_ =	swait.ge [sflag:s19], $0x4000  }
0x8c: {  	[sflag:s19] =	ssyncset.done $0x0  }
0x8d: {  	s28 =	rddreg [dreg:$0x6];
	[sflag:s19] =	ssyncadd.s32 $0xFFFFC000  }
0x8e: {  	[spmem:s2] =	stream.indirect.scatter.add.f32 [tilespmem:s17], [sflag:$0x3], $0x80, s28, s16, $0xb8;
	[tilespmem:$0x1F000] =	vst v63  }
0x8f: {  	_ =	swait.ge [sflag:s14], $0x4000  }
0x90: {  	[sflag:s14] =	ssyncset.done $0x0  }
0x91: {  	s29 =	sadd.s32 $0x300, s25;
	[sflag:s14] =	ssyncadd.s32 $0xFFFFC000  }
0x92: {  	[tilespmem:s17], [sflag:$0x1] =	stream.indirect.gather [hbm4b:s6+s16], $0x80, s29, s16, $0xb8;
	[tilespmem:$0x1F000] =	vst v63  }
0x93: {  	_ =	swait.ge [sflag:s20], $0x4000  }
0x94: {  	[sflag:s20] =	ssyncset.done $0x0  }
0x95: {  	s30 =	rddreg [dreg:$0x7];
	[sflag:s20] =	ssyncadd.s32 $0xFFFFC000  }
0x96: {  	[spmem:s2] =	stream.indirect.scatter.add.f32 [tilespmem:s18], [sflag:$0x3], $0x80, s30, s16, $0xb8;
	[tilespmem:$0x1F000] =	vst v63  }
0x97: {  	_ =	swait.ge [sflag:s14], $0x4000  }
0x98: {  	[sflag:s14] =	ssyncset.done $0x0  }
0x99: {  	s22 =	sadd.s32 $0x8, s22;
	s25 =	sadd.s32 $0x380, s25;
	[sflag:s14] =	ssyncadd.s32 $0xFFFFC000  }
0x9a: {  	[tilespmem:s18], [sflag:$0x2] =	stream.indirect.gather [hbm4b:s6+s16], $0x80, s25, s16, $0xb8;
	[tilespmem:$0x1F000] =	vst v63  }
0x9b: {  	p1 =	slt.s32 s22, $0x55;
	s26 =	smov.u32 s22;
	_ =	swait.ge [sflag:s19], $0x4000  }
0x9c: {  	s24 =	sadd.s32 $0x1, s24;
	s26 =	simm.s32 @!p1 $0x55;
	[sflag:s19] =	ssyncset.done $0x0  }
0x9d: {  	p1 =	slt.s32 s22, $0x54;
	s31 =	rddreg [dreg:$0x8];
	[sflag:s19] =	ssyncadd.s32 $0xFFFFC000  }
0x9e: {  	[spmem:s2] =	stream.indirect.scatter.add.f32 [tilespmem:s17], [sflag:$0x3], $0x80, s31, s16, $0xb8;
	[tilespmem:$0x1F000] =	vst v63  }
0x9f: {  	s28 =	sshll.u32 s26, $0x7;
	s26 =	smov.u32 s22;
	_ =	swait.ge [sflag:s14], $0x4000  }
0xa0: {  	s26 =	simm.s32 @!p1 $0x54;
	s25 =	sand.u32 $0x3FFFFF80, s28;
	[sflag:s14] =	ssyncset.done $0x0  }
0xa1: {  	p1 =	slt.s32 s24, $0xA;
	s25 =	sadd.s32 $0x100, s25;
	[sflag:s14] =	ssyncadd.s32 $0xFFFFC000  }
0xa2: {  	[tilespmem:s17], [sflag:$0x1] =	stream.indirect.gather [hbm4b:s6+s16], $0x80, s25, s16, $0xb8;
	[tilespmem:$0x1F000] =	vst v63  }
0xa3: {  	s30 =	sshll.u32 s26, $0x7;
	s26 =	smov.u32 s24;
	_ =	swait.ge [sflag:s20], $0x4000  }
0xa4: {  	s26 =	simm.s32 @!p1 $0xA;
	[sflag:s20] =	ssyncset.done $0x0  }
0xa5: {  	s26 =	sshll.u32 s26, $0xA;
	s29 =	rddreg [dreg:$0x9];
	[sflag:s20] =	ssyncadd.s32 $0xFFFFC000  }
0xa6: {  	[spmem:s2] =	stream.indirect.scatter.add.f32 [tilespmem:s18], [sflag:$0x3], $0x80, s29, s16, $0xb8;
	[tilespmem:$0x1F000] =	vst v63  }
0xa7: {  	p0 =	sne.s32 s23, $0xA000;
	s26 =	sadd.s32 s3, s26;
	_ =	swait.ge [sflag:s14], $0x4000  }
.Ltmp0:
0xa8: {  	s25 =	sand.u32 $0x3FFFFF80, s30;
	[sflag:s14] =	ssyncset.done $0x0;
	(pc) =	sbr.rel @p0 .LBB2_2-.Ltmp0, $4  }
0xa9: {  	s31 =	sshrl.u32 s26, $0x3;
	s25 =	sadd.s32 $0x180, s25;
	[sflag:s14] =	ssyncadd.s32 $0xFFFFC000  }
0xaa: {  	[tilespmem:s18], [sflag:$0x2] =	stream.indirect.gather [hbm4b:s6+s16], $0x80, s25, s16, $0xb8;
	[tilespmem:$0x1F000] =	vst v63  }
0xab: {  	s23 =	sadd.s32 $0x1000, s23;
	s25 =	sadd.s32 s5, s31  }
0xac: {  	[tilespmem:s15], [sflag:$0x3] =	stream.linear.gather [hbm4b:s25+s4], $0x400, $0x38;
	[tilespmem:$0x1F000] =	vst v63  }
0xad: {  	_ =	swait.ge [sflag:s14], $0x400  }
0xae: {  	[sflag:s14] =	ssyncset.done $0x0  }
0xaf: {  	[sflag:s14] =	ssyncadd.s32 $0xFFFFFC00  }
0xb0: {  	_ =	swait.ge [sflag:s19], $0x4000  }
0xb1: {  	[sflag:s19] =	ssyncset.done $0x0  }
0xb2: {  	[sflag:s19] =	ssyncadd.s32 $0xFFFFC000  }
0xb3: {  	_ =	swait.ge [sflag:s20], $0x4000  }
0xb4: {  	s21 =	sadd.s32 $0x1, s21;
	[sflag:s20] =	ssyncset.done $0x0  }
0xb5: {  	p0 =	sne.s32 s21, s12;
	[sflag:s20] =	ssyncadd.s32 $0xFFFFC000  }
.Ltmp1:
0xb6: {  	[bflag:$0x0] =	sbarrier.arrive $0xFFFF;
	(pc) =	sbr.rel @p0 .LBB2_1-.Ltmp1, $4  }
0xb7: {  	[hbm:s11], [sflag:s8] =	dma.local [spmem:s13], $0x2800  }
0xb8: {  	_ =	swait.ge [sflag:s14], $0x2800  }
0xb9: {  	[sflag:s14] =	ssyncset.done $0x0  }
0xba: {  	[sflag:s14] =	ssyncadd.s32 $0xFFFFD800  }
0xbb: {  	_ =	sfence.sel $0x180000  }
0xbc: {  	[bflag:$0x0] =	sbarrier.arrive $0xFFFF  }
0xbd: {  	p0 =	sne.s32 s0, $0x0;
	_ =	strace $0x9000004D  }
0xbe: {  	s0 =	sadd.s32 @!p0 $0x100000, s1;
	[bflag:$0x2] =	sbarrier.arrive $0xFFFF  }
0xbf: {  	[sflag:s0] =	ssyncadd.tile.s32 @!p0 $0x1;
	_ =	shalt  }
.Lfunc_end2:
_tile_overlayer_lowered:
.L_overlay_start_2:
0xc0: {  	(tag) =	ssettag $0x2  }
0xc1: {  	s0 =	rddreg [dreg:$0x0];
	s2 =	stileid.u32  }
0xc2: {  	s1 =	rddreg [dreg:$0x1];
	p0 =	sne.s32 s2, $0x0  }
0xc3: {  	s3 =	rddreg [dreg:$0x2];
	[bflag:$0x3] =	sbarrier.arrive $0xFFFF;
	s2 =	simm.s32 @!p0 $0x1C03  }
0xc4: {  	[timem:s3], [sflag:s2] =	dma.local @!p0 [hbm:s0], s1  }
0xc5: {  	s0 =	simm.s32 @!p0 $0x3  }
0xc6: {  	_ =	swait.ge @!p0 [sflag:s0], s1  }
0xc7: {  	s1 =	ssub.s32 @!p0 $0x0, s1;
	[sflag:s0] =	ssyncset.done @!p0 $0x0  }
0xc8: {  	[sflag:s0] =	ssyncadd.s32 @!p0 s1  }
0xc9: {  	[bflag:$0x3] =	sbarrier.arrive $0xFFFF  }
0xca: {  	_ =	shalt  }

// kernel: kernel.8.cloned.1.call-start
scs
__scs_entry_jumppad:
0x0: {  	(pc) =	sbr.rel $0x88, $3  }
0x1: {  	(tag) =	ssettag $0x0;
	lr =	simm.s32 $0x1  }
0x2: {  	[smem:$0x3F9B] =	sst lr;
	_ =	strace $0xD0000000  }
0x3: {  	_ = 	snop  }
0x4: {  	_ = 	snop  }
0x5: {  	_ = 	snop  }
0x6: {  	_ = 	snop  }
0x7: {  	_ = 	snop  }
__scs_overlays_trampoline_lowered:
0x8: {  	[smem:$0x3FAA] =	sst s0  }
0x9: {  	[smem:$0x3FAB] =	sst s1  }
0xa: {  	[smem:$0x3FAC] =	sst s2  }
0xb: {  	[smem:$0x3FAD] =	sst s3  }
0xc: {  	[smem:$0x3FAE] =	sst s4  }
0xd: {  	[smem:$0x3FAF] =	sst s5  }
0xe: {  	[smem:$0x3FB0] =	sst s6  }
0xf: {  	[smem:$0x3FB1] =	sst s7  }
0x10: {  	[smem:$0x3FB2] =	sst s8  }
0x11: {  	[smem:$0x3FB3] =	sst s9;
	s0 =	simm.s32 @!p0 $0x0  }
0x12: {  	s1 =	sld [smem:$0x3F99];
	s0 =	simm.s32 @p0 $0x1  }
0x13: {  	[smem:$0x3FB4] =	sst s0;
	s0 =	simm.s32 @!p1 $0x0  }
0x14: {  	s2 =	sld [smem:$0x3F98];
	s0 =	simm.s32 @p1 $0x1  }
0x15: {  	[smem:$0x3FB5] =	sst s0;
	s0 =	simm.s32 @!p2 $0x0  }
0x16: {  	s3 =	sld [smem:$0x3FDB];
	s0 =	simm.s32 @p2 $0x1  }
0x17: {  	s4 =	simm.s32 $0x1BF5;
	[smem:$0x3FB7] =	sst s0  }
0x18: {  	s0 =	sld [smem:$0x3F9A];
	_ =	swait.ge [sflag:s4], $0x0  }
0x19: {  	s7 =	sld [smem:$0x3F9B]  }
0x1a: {  	s8 =	sadd.s32 $0xFFFFE003, lr  }
0x1b: {  	s9 =	sadd.s32 $0xFFFFFEF7, lr;
	s5 =	simm.s32 $0xFFFFFFFF;
	p2 =	slt.u32 s8, $0xFFFFF086  }
0x1c: {  	p1 =	slt.u32 s9, $0xF7A;
	s5 =	simm.s32 @!p2 $0x0  }
0x1d: {  	s5 =	simm.s32 @p1 $0x1;
	p0 =	seq.s32 s7, s2  }
0x1e: {  	s7 =	smul.u32 @!p0 $0xF7A, s2;
	p2 =	seq.s32 @!p0 s5, $0x0  }
0x1f: {  	s9 =	smul.u32 $0xF7A, s1;
	s8 =	simm.s32 @!p0 $0x1BF5;
	p2 =	por !p2, p0  }
0x20: {  	[sflag:s8] =	ssyncset.s32 @!p0 $0xFFFFF086;
	s6 =	sadd.s32 @!p0 s3, s7;
	s7 =	simm.s32 @!p0 $0x108  }
0x21: {  	s3 =	sadd.s32 s3, s9;
	s6 =	sadd.s32 @!p0 $0x88, s6;
	s7 =	simm.s32 @p2 $0x1082  }
0x22: {  	[simem:s7], [sflag:s8] =	dma.local @!p0 [hbm:s6], $0xF7A  }
0x23: {  	s9 =	sor.u32 $0xD0000000, s2;
	s6 =	simm.s32 $0x108;
	_ =	swait.ge @!p0 [sflag:s8], $0x0  }
0x24: {  	s3 =	sadd.s32 $0x88, s3;
	s6 =	simm.s32 @!p1 $0x1082;
	[sflag:s4] =	ssyncset.s32 $0xFFFFF086  }
0x25: {  	[simem:s6], [sflag:s4] =	dma.local [hbm:s3], $0xF7A  }
0x26: {  	[smem:$0x3F9B] =	sst s1;
	(tag) =	ssettag s2;
	_ =	strace s9  }
0x27: {  	s1 =	sld [smem:$0x3FAB]  }
0x28: {  	s2 =	sld [smem:$0x3FAC]  }
0x29: {  	s4 =	sld [smem:$0x3FAE]  }
0x2a: {  	p0 =	seq.s32 s5, $0x0;
	s5 =	sld [smem:$0x3FAF]  }
0x2b: {  	s6 =	sld [smem:$0x3FB0]  }
0x2c: {  	s7 =	sld [smem:$0x3FB1]  }
0x2d: {  	s3 =	simm.s32 $0x108;
	s8 =	sld [smem:$0x3FB2]  }
0x2e: {  	s3 =	simm.s32 @!p0 $0x1082;
	s9 =	sld [smem:$0x3FB3]  }
0x2f: {  	lr =	sadd.s32 s0, s3;
	s0 =	sld [smem:$0x3FAA]  }
0x30: {  	s3 =	sld [smem:$0x3FAD]  }
0x31: {  	[smem:$0x3FB6] =	sst s10  }
0x32: {  	s10 =	sld [smem:$0x3FB4];
	_ =	sdelay $0x3  }
0x33: {  	p0 =	seq.s32 s10, $0x1;
	s10 =	sld [smem:$0x3FB6];
	_ =	sdelay $0x3  }
0x34: {  	[smem:$0x3FB6] =	sst s10  }
0x35: {  	s10 =	sld [smem:$0x3FB5];
	_ =	sdelay $0x3  }
0x36: {  	p1 =	seq.s32 s10, $0x1;
	s10 =	sld [smem:$0x3FB6];
	_ =	sdelay $0x3  }
0x37: {  	[smem:$0x3FB6] =	sst s10  }
0x38: {  	s10 =	sld [smem:$0x3FB7]  }
0x39: {  	_ = 	snop;
	(pc) =	sbr.ind lr, $3  }
0x3a: {  	_ = 	snop  }
0x3b: {  	_ = 	snop  }
0x3c: {  	p2 =	seq.s32 s10, $0x1;
	s10 =	sld [smem:$0x3FB6]  }
0x3d: {  	_ =	shalt  }
0x3e: {  	_ =	shalt  }
0x3f: {  	_ =	shalt  }
0x40: {  	_ =	shalt  }
0x41: {  	_ =	shalt  }
0x42: {  	_ =	shalt  }
0x43: {  	_ =	shalt  }
0x44: {  	_ =	shalt  }
0x45: {  	_ =	shalt  }
0x46: {  	_ =	shalt  }
0x47: {  	_ =	shalt  }
0x48: {  	_ =	shalt  }
0x49: {  	_ =	shalt  }
0x4a: {  	_ =	shalt  }
0x4b: {  	_ =	shalt  }
0x4c: {  	_ =	shalt  }
0x4d: {  	_ =	shalt  }
0x4e: {  	_ =	shalt  }
0x4f: {  	_ =	shalt  }
0x50: {  	_ =	shalt  }
0x51: {  	_ =	shalt  }
0x52: {  	_ =	shalt  }
0x53: {  	_ =	shalt  }
0x54: {  	_ =	shalt  }
0x55: {  	_ =	shalt  }
0x56: {  	_ =	shalt  }
0x57: {  	_ =	shalt  }
0x58: {  	_ =	shalt  }
0x59: {  	_ =	shalt  }
0x5a: {  	_ =	shalt  }
0x5b: {  	_ =	shalt  }
0x5c: {  	_ =	shalt  }
0x5d: {  	_ =	shalt  }
0x5e: {  	_ =	shalt  }
0x5f: {  	_ =	shalt  }
0x60: {  	_ =	shalt  }
0x61: {  	_ =	shalt  }
0x62: {  	_ =	shalt  }
0x63: {  	_ =	shalt  }
0x64: {  	_ =	shalt  }
0x65: {  	_ =	shalt  }
0x66: {  	_ =	shalt  }
0x67: {  	_ =	shalt  }
0x68: {  	_ =	shalt  }
0x69: {  	_ =	shalt  }
0x6a: {  	_ =	shalt  }
0x6b: {  	_ =	shalt  }
0x6c: {  	_ =	shalt  }
0x6d: {  	_ =	shalt  }
0x6e: {  	_ =	shalt  }
0x6f: {  	_ =	shalt  }
0x70: {  	_ =	shalt  }
0x71: {  	_ =	shalt  }
0x72: {  	_ =	shalt  }
0x73: {  	_ =	shalt  }
0x74: {  	_ =	shalt  }
0x75: {  	_ =	shalt  }
0x76: {  	_ =	shalt  }
0x77: {  	_ =	shalt  }
0x78: {  	_ =	shalt  }
0x79: {  	_ =	shalt  }
0x7a: {  	_ =	shalt  }
0x7b: {  	_ =	shalt  }
0x7c: {  	_ =	shalt  }
0x7d: {  	_ =	shalt  }
0x7e: {  	_ =	shalt  }
0x7f: {  	_ =	shalt  }
0x80: {  	_ =	shalt  }
0x81: {  	_ =	shalt  }
0x82: {  	_ =	shalt  }
0x83: {  	_ =	shalt  }
0x84: {  	_ =	shalt  }
0x85: {  	_ =	shalt  }
0x86: {  	_ =	shalt  }
0x87: {  	_ =	shalt  }
.Lfunc_end0:
.L_simem_size_0:
called_computation_lowered:
.L_overlay_start_0:
0x88: {  	s2 =	sld [smem:$0x3FD9]  }
0x89: {  	s3 =	sld [smem:$0x3FFE];
	_ =	sdelay $0x1  }
0x8a: {  	s1 =	srdreg.scid  }
0x8b: {  	s0 =	sand.u32 $0x1, s1  }
0x8c: {  	s16 =	sshll.u32 s0, $0xA;
	s2 =	sadd.s32 s3, s2  }
0x8d: {  	s2 =	sadd.s32 s2, s16  }
0x8e: {  	[smem:$0x3FC2] =	sst s2  }
0x8f: {  	_ = 	snop  }
0x90: {  	(tm) =	ssettm $0x1  }
0x91: {  	s17 =	sld [smem:$0x3FFB];
	_ =	sdelay $0x3  }
0x92: {  	_ =	strace s17  }
0x93: {  	s2 =	sld [smem:$0x3FFC];
	_ =	sdelay $0x3  }
0x94: {  	_ =	strace s2  }
0x95: {  	s2 =	sld [smem:$0x3FFD];
	_ =	sdelay $0x3  }
0x96: {  	_ =	strace s2  }
0x97: {  	_ =	strace $0x8FFFFFFF  }
0x98: {  	s18 =	sld [smem:$0x3FDB];
	_ =	sdelay $0x1  }
0x99: {  	s19 =	simm.s32 $_scs_section_size  }
0x9a: {  	s4 =	simm.s32 $_size__tile_overlayer_lowered;
	s5 =	simm.s32 $_tile_overlayer_lowered  }
0x9b: {  	s22 =	simm.s32 $0x1BFF;
	s21 =	sshll.u32 s5, $0x1;
	s2 =	sadd.s32 s19, s18  }
0x9c: {  	s6 =	simm.s32 $0x0;
	s20 =	sshll.u32 s4, $0x1;
	s4 =	sadd.s32 s21, s2  }
0x9d: {  	[timem:s6], [sflag:s22] =	dma.local [hbm:s4], s20  }
0x9e: {  	_ =	swait.ge [sflag:s22], s20  }
0x9f: {  	s3 =	ssub.s32 $0x0, s20;
	[sflag:s22] =	ssyncset.done $0x0  }
0xa0: {  	[sflag:s22] =	ssyncadd.s32 s3;
	_ =	sdelay $0x1  }
0xa1: {  	s23 =	simm.s32 $0x1B8B  }
0xa2: {  	_ =	swait.ge [sflag:s23], $0x1  }
0xa3: {  	[sflag:s23] =	ssyncset.done $0x0  }
0xa4: {  	s25 =	simm.s32 $0x1B8E;
	s24 =	sld [smem:$0x3FFE];
	[sflag:s23] =	ssyncadd.s32 $0xFFFFFFFF  }
0xa5: {  	s26 =	simm.s32 $execute0_lowered;
	[smem:$0x3FD2] =	sst s25  }
0xa6: {  	s4 =	sshll.u32 s26, $0x1;
	_ =	strace $0x80000046;
	[dreg:$0x1] =	wrdreg $0xFFFFFFFF  }
0xa7: {  	s28 =	simm.s32 $_size_execute0_lowered;
	s2 =	sadd.s32 s2, s4;
	[dreg:$0x0] =	wrdreg $0x0  }
0xa8: {  	s4 =	sshll.u32 s28, $0x1;
	[dreg:$0x2] =	wrdreg s2  }
0xa9: {  	[dreg:$0x3] =	wrdreg s4  }
0xaa: {  	[dreg:$0x4] =	wrdreg $0xC0  }
0xab: {  	_ =	task [dreg:s6], $0x5FFFF  }
0xac: {  	[dreg:$0x1] =	wrdreg $0xFFFFFFFF  }
0xad: {  	[dreg:$0x0] =	wrdreg $0x60  }
0xae: {  	[dreg:$0x2] =	wrdreg s24  }
0xaf: {  	[dreg:$0x3] =	wrdreg $0x6C000  }
0xb0: {  	[dreg:$0x4] =	wrdreg $0x9  }
0xb1: {  	_ =	task.clear_ibuf [dreg:s6], $0x5FFFF;
	_ =	strace $0x90000046  }
0xb2: {  	s29 =	simm.s32 $0x9;
	_ =	strace $0x80000048  }
0xb3: {  	_ =	swait.ge [sflag:s29], $0x1  }
0xb4: {  	[sflag:s29] =	ssyncadd.s32 $0xFFFFFFFF  }
0xb5: {  	_ =	strace $0x90000048  }
0xb6: {  	_ =	sfence  }
0xb7: {  	s30 =	sld [smem:$0x0];
	_ =	sdelay $0x2  }
0xb8: {  	s31 =	sshll.u32 s1, $0xD;
	s1 =	sshrl.u32 s1, $0x2  }
0xb9: {  	s3 =	sand.u32 $0x4000, s31;
	s1 =	sadd.s32 s1, s30  }
0xba: {  	s0 =	sor.u32 s3, s0;
	s1 =	sshll.u32 s1, $0x11  }
0xbb: {  	s0 =	sor.u32 s1, s0  }
0xbc: {  	s0 =	sadd.s32 $0x8F2B, s0  }
0xbd: {  	[sflag:s0] =	ssyncadd.remote.s32 $0x1  }
0xbe: {  	_ =	sfence.sel $0xFFFF  }
0xbf: {  	[dreg:$0x0] =	wrdreg $0xFFFFFFFF;
	(pc) =	sbr.abs _section_cstart, $3  }
0xc0: {  	[dreg:$0x1] =	wrdreg $0xFFFFFFFF  }
0xc1: {  	_ =	task.clear_ibuf [dreg:s6], $0x2FFFF;
	_ =	strace $0x9FFFFFFF  }
0xc2: {  	(tm) =	ssettm $0x7FFFFFFF  }
0xc3: {  	_ =	shalt  }
tec
execute0_lowered:
.L_overlay_start_1:
0x0: {  	(tag) =	ssettag $0x1  }
0x1: {  	s1 =	srdreg.scid  }
0x2: {  	s0 =	stileid.u32;
	s7 =	rddreg [dreg:$0x0]  }
0x3: {  	s2 =	rddreg [dreg:$0x1];
	s3 =	simm.s32 $0x0;
	s12 =	simm.s32 $0x2C00  }
0x4: {  	s13 =	simm.s32 $0x80;
	s14 =	simm.s32 $0x0;
	s8 =	smul.u32 $0x14000, s0  }
0x5: {  	s6 =	sand.u32 $0x1, s1;
	s29 =	sshll.u32 s0, $0x1;
	s10 =	smul.u32 $0x50000, s0  }
0x6: {  	[smem:$0x7FF] =	sst s3;
	s1 =	sor.u32 s6, s29;
	s5 =	smul.u32 $0x140000, s6  }
0x7: {  	s31 =	sshll.u32 s0, $0x6;
	s6 =	ssub.s32 $0x2, s6;
	s4 =	smul.u32 $0x580, s1  }
0x8: {  	s1 =	rddreg [dreg:$0x2];
	_ =	strace $0x80000047;
	s30 =	sshrl.u32 s6, $0x1  }
0x9: {  	s10 =	sshrl.u32 s10, $0x2;
	s8 =	sadd.s32 s8, s5;
	s5 =	sadd.s32 $0xD400, s7  }
0xa: {  	s11 =	ssub.s32 s6, s30;
	s10 =	sadd.s32 s10, s2;
	s6 =	sor.u32 $0x1C01, s31  }
0xb: {  	s9 =	sadd.s32 s4, s7;
	s4 =	sadd.s32 $0xCC00, s7;
	s8 =	sshrl.u32 s8, $0x3  }
0xc: {  	s10 =	sshrl.u32 s10, $0x3;
	s8 =	sadd.s32 s8, s7;
	s7 =	sadd.s32 $0x1C00, s9  }
0xd: {  	s9 =	smax.u32 s11, $0x1;
	s11 =	simm.s32 $0x1;
	s8 =	sadd.s32 $0xFC00, s8  }
.LBB2_1:
0xe: {  	[spmem:s10], [sflag:s6] =	dma.local [hbm:s5], $0x2800  }
0xf: {  	_ =	swait.ge [sflag:s11], $0x2800  }
0x10: {  	[sflag:s11] =	ssyncset.done $0x0  }
0x11: {  	[sflag:s11] =	ssyncadd.s32 $0xFFFFD800  }
0x12: {  	[tilespmem:s12], [sflag:$0x1] =	stream.linear.gather [hbm4b:s4+s3], $0x4000, $0x38;
	[tilespmem:$0x1AC00] =	vst v63  }
0x13: {  	_ =	swait.ge [sflag:s11], $0x4000  }
0x14: {  	[sflag:s11] =	ssyncset.done $0x0  }
0x15: {  	[sflag:s11] =	ssyncadd.s32 $0xFFFFC000  }
0x16: {  	[tilespmem:s3], [sflag:$0x1] =	stream.linear.gather [hbm4b:s7+s3], $0x2C00, $0x38;
	[tilespmem:$0x1AC00] =	vst v63  }
0x17: {  	_ =	swait.ge [sflag:s11], $0x2C00  }
0x18: {  	[sflag:s11] =	ssyncset.done $0x0  }
0x19: {  	[sflag:s11] =	ssyncadd.s32 $0xFFFFD400  }
0x1a: {  	s15 =	simm.s32 $0x0;
	[bflag:$0x0] =	sbarrier.arrive $0xFFFF  }
0x1b: {  	[spmem:s2] =	stream.indirect.scatter.add.f32 [tilespmem:s12], [sflag:$0x1], $0x80, s15, s13, $0xb8;
	[tilespmem:$0x1AC00] =	vst v63  }
0x1c: {  	_ =	swait.ge [sflag:s11], $0x4000  }
0x1d: {  	s15 =	simm.s32 $0x200;
	[sflag:s11] =	ssyncset.done $0x0  }
.LBB2_2:
0x1e: {  	s16 =	sshra.s32 s15, $0x2;
	[sflag:s11] =	ssyncadd.s32 $0xFFFFC000;
	p0 =	sne.s32 s15, $0xAE00  }
0x1f: {  	[spmem:s2] =	stream.indirect.scatter.add.f32 [tilespmem:s12], [sflag:$0x1], $0x80, s16, s13, $0xb8;
	[tilespmem:$0x1AC00] =	vst v63  }
.Ltmp0:
0x20: {  	_ = 	snop;
	(pc) =	sbr.rel @p0 .LBB2_2-.Ltmp0, $4  }
0x21: {  	_ = 	snop  }
0x22: {  	s15 =	sadd.s32 $0x200, s15  }
0x23: {  	_ =	swait.ge [sflag:s11], $0x4000  }
0x24: {  	[sflag:s11] =	ssyncset.done $0x0  }
0x25: {  	s14 =	sadd.s32 $0x1, s14  }
0x26: {  	[sflag:s11] =	ssyncadd.s32 $0xFFFFC000;
	p0 =	sne.s32 s14, s9  }
.Ltmp1:
0x27: {  	[bflag:$0x0] =	sbarrier.arrive $0xFFFF;
	(pc) =	sbr.rel @p0 .LBB2_1-.Ltmp1, $4  }
0x28: {  	[hbm:s8], [sflag:s6] =	dma.local [spmem:s10], $0x2800  }
0x29: {  	_ =	swait.ge [sflag:s11], $0x2800  }
0x2a: {  	[sflag:s11] =	ssyncset.done $0x0  }
0x2b: {  	[sflag:s11] =	ssyncadd.s32 $0xFFFFD800  }
0x2c: {  	_ =	sfence.sel $0x180000  }
0x2d: {  	[bflag:$0x0] =	sbarrier.arrive $0xFFFF  }
0x2e: {  	p0 =	sne.s32 s0, $0x0;
	_ =	strace $0x90000047  }
0x2f: {  	s0 =	sadd.s32 @!p0 $0x100000, s1;
	[bflag:$0x2] =	sbarrier.arrive $0xFFFF  }
0x30: {  	[sflag:s0] =	ssyncadd.tile.s32 @!p0 $0x1;
	_ =	shalt  }
.Lfunc_end2:
_tile_overlayer_lowered:
.L_overlay_start_2:
0x31: {  	(tag) =	ssettag $0x2  }
0x32: {  	s0 =	rddreg [dreg:$0x0];
	s2 =	stileid.u32  }
0x33: {  	s1 =	rddreg [dreg:$0x1];
	p0 =	sne.s32 s2, $0x0  }
0x34: {  	s3 =	rddreg [dreg:$0x2];
	[bflag:$0x3] =	sbarrier.arrive $0xFFFF;
	s2 =	simm.s32 @!p0 $0x1C01  }
0x35: {  	[timem:s3], [sflag:s2] =	dma.local @!p0 [hbm:s0], s1  }
0x36: {  	s0 =	simm.s32 @!p0 $0x1  }
0x37: {  	_ =	swait.ge @!p0 [sflag:s0], s1  }
0x38: {  	s1 =	ssub.s32 @!p0 $0x0, s1;
	[sflag:s0] =	ssyncset.done @!p0 $0x0  }
0x39: {  	[sflag:s0] =	ssyncadd.s32 @!p0 s1  }
0x3a: {  	[bflag:$0x3] =	sbarrier.arrive $0xFFFF  }
0x3b: {  	_ =	shalt  }

</sc_bundles>
